<compile_context>
chip_gen: v7x
topology: tpu7x:2x2x1
jax: 0.10.2.dev20260603
libtpu: 0.0.44.dev20260713+nightly
codegen_flags: <defaults>
</compile_context>

<pallas_src>
import functools

import jax
import jax.numpy as jnp
from jax import lax
from jax.experimental import pallas as pl
from jax.experimental.pallas import tpu as pltpu
from jax.experimental.pallas import tpu_sc as plsc

NC = 2
NS = 16
NW = NC * NS
CH = 56


def _ceil_to(a: int, m: int) -> int:
    return ((a + m - 1) // m) * m


def _sc_scatter_rows(src_idx, dst_idx, table, n_out: int, d: int):
    kc = src_idx.shape[1]
    rpt = n_out // NS
    mesh = plsc.VectorSubcoreMesh(core_axis_name="c", subcore_axis_name="s")

    @functools.partial(
        pl.kernel,
        out_type=jax.ShapeDtypeStruct((NC, n_out, d), jnp.float32),
        mesh=mesh,
        scratch_types=[
            pltpu.VMEM((kc, CH), jnp.int32),
            pltpu.VMEM((kc, CH), jnp.int32),
            pltpu.VMEM((CH, d), jnp.float32),
            pltpu.VMEM((CH, d), jnp.float32),
            pltpu.VMEM((CH, d), jnp.float32),
            pltpu.VMEM((CH, d), jnp.float32),
            pltpu.VMEM_SHARED((n_out, d), jnp.float32),
        ] + [pltpu.SemaphoreType.DMA] * 8,
        compiler_params=pltpu.CompilerParams(use_tc_tiling_on_sc=False),
    )
    def k(src_hbm, dst_hbm, tab_hbm, zero_hbm, out_hbm, sv, dv,
          ra, rb, rc, rd, acc, sa, sb, sc_, sd, wa, wb, wc, wd):
        c = lax.axis_index("c")
        s = lax.axis_index("s")
        wid = c * NS + s
        pltpu.sync_copy(zero_hbm.at[pl.ds(s * rpt, rpt)],
                        acc.at[pl.ds(s * rpt, rpt)])
        pltpu.sync_copy(src_hbm.at[wid], sv)
        pltpu.sync_copy(dst_hbm.at[wid], dv)
        plsc.subcore_barrier()

        pltpu.async_copy(tab_hbm.at[sv.at[0]], ra, sa)
        pltpu.async_copy(tab_hbm.at[sv.at[1]], rb, sb)

        @pl.loop(0, kc, step=4)
        def _(j):
            pltpu.make_async_copy(tab_hbm.at[sv.at[j]], ra, sa).wait()
            pltpu.make_async_copy(tab_hbm.at[sv.at[j + 1]], rb, sb).wait()
            pltpu.async_copy(ra, acc.at[dv.at[j]], wa, add=True)
            pltpu.async_copy(rb, acc.at[dv.at[j + 1]], wb, add=True)
            pltpu.async_copy(tab_hbm.at[sv.at[j + 2]], rc, sc_)
            pltpu.async_copy(tab_hbm.at[sv.at[j + 3]], rd, sd)
            pltpu.make_async_copy(ra, acc.at[dv.at[j]], wa).wait()
            pltpu.make_async_copy(rb, acc.at[dv.at[j + 1]], wb).wait()

            pltpu.make_async_copy(tab_hbm.at[sv.at[j + 2]], rc, sc_).wait()
            pltpu.make_async_copy(tab_hbm.at[sv.at[j + 3]], rd, sd).wait()
            pltpu.async_copy(rc, acc.at[dv.at[j + 2]], wc, add=True)
            pltpu.async_copy(rd, acc.at[dv.at[j + 3]], wd, add=True)

            @pl.when(j + 4 < kc)
            def _():
                pltpu.async_copy(tab_hbm.at[sv.at[j + 4]], ra, sa)
                pltpu.async_copy(tab_hbm.at[sv.at[j + 5]], rb, sb)

            pltpu.make_async_copy(rc, acc.at[dv.at[j + 2]], wc).wait()
            pltpu.make_async_copy(rd, acc.at[dv.at[j + 3]], wd).wait()

        plsc.subcore_barrier()
        pltpu.sync_copy(acc.at[pl.ds(s * rpt, rpt)],
                        out_hbm.at[c, pl.ds(s * rpt, rpt)])

    zero = jnp.zeros((n_out, d), jnp.float32)
    return k(src_idx, dst_idx, table, zero)


def _sc_count_rows(dst_idx, n_out: int):
    d = 16
    kc = dst_idx.shape[1]
    rpt = n_out // NS
    mesh = plsc.VectorSubcoreMesh(core_axis_name="c", subcore_axis_name="s")

    @functools.partial(
        pl.kernel,
        out_type=jax.ShapeDtypeStruct((NC, n_out, d), jnp.float32),
        mesh=mesh,
        scratch_types=[
            pltpu.VMEM((kc, CH), jnp.int32),
            pltpu.VMEM((CH, d), jnp.float32),
            pltpu.VMEM_SHARED((n_out, d), jnp.float32),
            pltpu.SemaphoreType.DMA,
        ],
        compiler_params=pltpu.CompilerParams(use_tc_tiling_on_sc=False),
    )
    def k(dst_hbm, ones_hbm, zero_hbm, out_hbm, dv, ra, acc, sem):
        c = lax.axis_index("c")
        s = lax.axis_index("s")
        wid = c * NS + s
        pltpu.sync_copy(zero_hbm.at[pl.ds(s * rpt, rpt)],
                        acc.at[pl.ds(s * rpt, rpt)])
        pltpu.sync_copy(dst_hbm.at[wid], dv)
        pltpu.sync_copy(ones_hbm, ra)
        plsc.subcore_barrier()

        @pl.loop(0, kc)
        def _(j):
            pltpu.async_copy(ra, acc.at[dv.at[j]], sem, add=True)

        @pl.loop(0, kc)
        def _(j):
            pltpu.make_async_copy(ra, acc.at[dv.at[j]], sem).wait()

        plsc.subcore_barrier()
        pltpu.sync_copy(acc.at[pl.ds(s * rpt, rpt)],
                        out_hbm.at[c, pl.ds(s * rpt, rpt)])

    zero = jnp.zeros((n_out, d), jnp.float32)
    ones = jnp.ones((CH, d), jnp.float32)
    return k(dst_idx, ones, zero)


def _tc_stage1(x, w1, degp, bn: int):
    n, dx = x.shape
    h = w1.shape[1]

    def body(x_ref, w_ref, d0_ref, d1_ref, g_ref, di_ref):
        deg = d0_ref[0, :, 0:1] + d1_ref[0, :, 0:1] + 1.0
        dinv = lax.rsqrt(deg)
        hh = jnp.dot(x_ref[...], w_ref[...], preferred_element_type=jnp.float32)
        g_ref[...] = hh * dinv
        di_ref[...] = jnp.broadcast_to(dinv, di_ref.shape)

    return pl.pallas_call(
        body,
        grid=(n // bn,),
        in_specs=[
            pl.BlockSpec((bn, dx), lambda i: (i, 0)),
            pl.BlockSpec((dx, h), lambda i: (0, 0)),
            pl.BlockSpec((1, bn, 16), lambda i: (0, i, 0)),
            pl.BlockSpec((1, bn, 16), lambda i: (1, i, 0)),
        ],
        out_specs=[
            pl.BlockSpec((bn, h), lambda i: (i, 0)),
            pl.BlockSpec((bn, 16), lambda i: (i, 0)),
        ],
        out_shape=[
            jax.ShapeDtypeStruct((n, h), jnp.float32),
            jax.ShapeDtypeStruct((n, 16), jnp.float32),
        ],
    )(x, w1, degp, degp)


def _tc_stage2(p0, p1, g1, dinv16, b1, w2p, bn: int):
    n, h = g1.shape
    cp = w2p.shape[1]

    def body(p0_ref, p1_ref, g1_ref, di_ref, b_ref, w_ref, g_ref):
        di = di_ref[:, 0:1]
        s = p0_ref[0] + p1_ref[0] + g1_ref[...]
        a = jnp.maximum(s * di + b_ref[...], 0.0)
        hh = jnp.dot(a, w_ref[...], preferred_element_type=jnp.float32)
        g_ref[...] = hh * di

    return pl.pallas_call(
        body,
        grid=(n // bn,),
        in_specs=[
            pl.BlockSpec((1, bn, h), lambda i: (0, i, 0)),
            pl.BlockSpec((1, bn, h), lambda i: (1, i, 0)),
            pl.BlockSpec((bn, h), lambda i: (i, 0)),
            pl.BlockSpec((bn, 16), lambda i: (i, 0)),
            pl.BlockSpec((1, h), lambda i: (0, 0)),
            pl.BlockSpec((h, cp), lambda i: (0, 0)),
        ],
        out_specs=pl.BlockSpec((bn, cp), lambda i: (i, 0)),
        out_shape=jax.ShapeDtypeStruct((n, cp), jnp.float32),
    )(p0, p1, g1, dinv16, b1, w2p)


def _tc_stage3(q0, q1, g2, dinv16, b2p, bn: int):
    n, cp = g2.shape

    def body(q0_ref, q1_ref, g2_ref, di_ref, b_ref, o_ref):
        di = di_ref[:, 0:1]
        s = q0_ref[0] + q1_ref[0] + g2_ref[...]
        o_ref[...] = s * di + b_ref[...]

    return pl.pallas_call(
        body,
        grid=(n // bn,),
        in_specs=[
            pl.BlockSpec((1, bn, cp), lambda i: (0, i, 0)),
            pl.BlockSpec((1, bn, cp), lambda i: (1, i, 0)),
            pl.BlockSpec((bn, cp), lambda i: (i, 0)),
            pl.BlockSpec((bn, 16), lambda i: (i, 0)),
            pl.BlockSpec((1, cp), lambda i: (0, 0)),
        ],
        out_specs=pl.BlockSpec((bn, cp), lambda i: (i, 0)),
        out_shape=jax.ShapeDtypeStruct((n, cp), jnp.float32),
    )(q0, q1, g2, dinv16, b2p)


def kernel(x, edge_index, W1, b1, W2, b2):
    n, dx = x.shape
    h = W1.shape[1]
    c = W2.shape[1]
    e = edge_index.shape[1]
    cp = _ceil_to(c, 16)
    bn = 1000
    assert n % bn == 0 and n % NS == 0

    src = edge_index[0]
    dst = edge_index[1]

    kc = _ceil_to(_ceil_to(e, NW * CH) // (NW * CH), 4)
    t2 = NW * kc * CH
    pad = t2 - e
    src_all = jnp.concatenate(
        [src, jnp.arange(pad, dtype=jnp.int32) % n]).reshape(NW, kc, CH)
    dst_all = jnp.concatenate(
        [dst, jnp.full((pad,), n, jnp.int32)]).reshape(NW, kc, CH)

    na = _ceil_to(n + 1, NS * 8)
    degp = _sc_count_rows(dst_all, na)

    g1, dinv16 = _tc_stage1(x, W1, degp, bn)

    p = _sc_scatter_rows(src_all, dst_all, g1, na, h)

    w2p = jnp.pad(W2, ((0, 0), (0, cp - c)))
    g2 = _tc_stage2(p, p, g1, dinv16, b1.reshape(1, h), w2p, bn)

    q = _sc_scatter_rows(src_all, dst_all, g2, na, cp)

    b2p = jnp.pad(b2, (0, cp - c)).reshape(1, cp)
    out = _tc_stage3(q, q, g2, dinv16, b2p, bn)

    return out[:, :c]

# --- scband reference (transcript-rebuilt; emitter-appended) ---
"""Pipeline reference for scband-gcn-33938831573040 (READ-ONLY COPY).

The authoritative reference and input builder live on the scoring server;
editing this copy changes nothing except your own understanding.
"""

import jax, jax.numpy as jnp
import numpy as np

N = 10000
D = 128
E = 320000
H = 128
C = 40


def setup_inputs(seed: int = 0) -> dict:
    key = jax.random.key(seed)
    k1, k2, k3, k4, k5, k6 = jax.random.split(key, 6)
    x = jax.random.normal(k1, (N, D), dtype=jnp.float32)
    edge_index = jax.random.randint(k2, (2, E), 0, N, dtype=jnp.int32)
    # GCNConv parameters (glorot-style scale)
    W1 = jax.random.normal(k3, (D, H), dtype=jnp.float32) * (1.0 / np.sqrt(D))
    b1 = jnp.zeros((H,), dtype=jnp.float32)
    W2 = jax.random.normal(k4, (H, C), dtype=jnp.float32) * (1.0 / np.sqrt(H))
    b2 = jnp.zeros((C,), dtype=jnp.float32)
    return {"x": x, "edge_index": edge_index, "W1": W1, "b1": b1, "W2": W2, "b2": b2}


def _gcn_conv(x, edge_index, W, b):
    # Faithful GCNConv: add self loops, symmetric normalization D^-1/2 A_hat D^-1/2 (X W) + b
    num_nodes = x.shape[0]
    src = edge_index[0]
    dst = edge_index[1]
    loop = jnp.arange(num_nodes, dtype=src.dtype)
    src = jnp.concatenate([src, loop])
    dst = jnp.concatenate([dst, loop])
    deg = jnp.zeros((num_nodes,), dtype=x.dtype).at[dst].add(1.0)
    deg_inv_sqrt = jnp.where(deg > 0, 1.0 / jnp.sqrt(deg), 0.0)
    norm = deg_inv_sqrt[src] * deg_inv_sqrt[dst]
    h = x @ W
    msg = h[src] * norm[:, None]
    out = jnp.zeros((num_nodes, W.shape[1]), dtype=x.dtype).at[dst].add(msg)
    return out + b


def reference(x, edge_index, W1, b1, W2, b2):
    h = _gcn_conv(x, edge_index, W1, b1)
    h = jax.nn.relu(h)
    # F.dropout(p=0.5, training=self.training): identity in eval mode
    out = _gcn_conv(h, edge_index, W2, b2)
    return out

if __name__ == "__main__":
    import jax
    _d = setup_inputs()
    print(jax.jit(kernel)(*tuple(_d.values())))

</pallas_src>

<mosaic_0001>
#map = affine_map<(d0, d1) -> (0, 0, 0)>
#map1 = affine_map<(d0, d1) -> (0, 0)>
module attributes {stable_mosaic.version = 14 : i64} {
  func.func @k(%arg0: i32, %arg1: i32, %arg2: memref<32x180x56xi32, #tpu.memory_space<hbm>>, %arg3: memref<32x180x56xi32, #tpu.memory_space<hbm>>, %arg4: memref<10000x128xf32, #tpu.memory_space<hbm>>, %arg5: memref<10112x128xf32, #tpu.memory_space<hbm>>, %arg6: memref<2x10112x128xf32, #tpu.memory_space<hbm>>, %arg7: memref<180x56xi32, #tpu.memory_space<vmem>>, %arg8: memref<180x56xi32, #tpu.memory_space<vmem>>, %arg9: memref<56x128xf32, #tpu.memory_space<vmem>>, %arg10: memref<56x128xf32, #tpu.memory_space<vmem>>, %arg11: memref<56x128xf32, #tpu.memory_space<vmem>>, %arg12: memref<56x128xf32, #tpu.memory_space<vmem>>, %arg13: memref<10112x128xf32, #tpu.memory_space<vmem_shared>>, %arg14: memref<!tpu.dma_semaphore, #tpu.memory_space<semaphore_mem>>, %arg15: memref<!tpu.dma_semaphore, #tpu.memory_space<semaphore_mem>>, %arg16: memref<!tpu.dma_semaphore, #tpu.memory_space<semaphore_mem>>, %arg17: memref<!tpu.dma_semaphore, #tpu.memory_space<semaphore_mem>>, %arg18: memref<!tpu.dma_semaphore, #tpu.memory_space<semaphore_mem>>, %arg19: memref<!tpu.dma_semaphore, #tpu.memory_space<semaphore_mem>>, %arg20: memref<!tpu.dma_semaphore, #tpu.memory_space<semaphore_mem>>, %arg21: memref<!tpu.dma_semaphore, #tpu.memory_space<semaphore_mem>>) attributes {dimension_semantics = [#tpu.dimension_semantics<core_parallel>, #tpu.dimension_semantics<subcore_parallel>], iteration_bounds = array<i64: 2, 16>, scalar_prefetch = 0 : i64, scratch_operands = 15 : i64, tpu.core_type = #tpu.core_type<sc_vector_subcore>, window_params = [{transform_indices = #map}, {transform_indices = #map}, {transform_indices = #map1}, {transform_indices = #map1}, {transform_indices = #map}]} {
    %mul3A = arith.constant 16 : i32
    %mul3A_0 = arith.muli %arg0, %mul3A : i32
    %add3A = arith.addi %mul3A_0, %arg1 : i32
    %mul3A_1 = arith.constant 632 : i32
    %mul3A_2 = arith.muli %arg1, %mul3A_1 : i32
    %mul3A_3 = arith.constant 632 : i32
    %mul3A_4 = arith.muli %arg1, %mul3A_3 : i32
    "tpu.region"() ({
      %run_scoped3A = tpu.sem_alloc : memref<!tpu.dma_semaphore, #tpu.memory_space<semaphore_mem>>
      %dma_start3A_27 = arith.constant 0 : i32
      %dma_start3A_28 = tpu.memref_slice %arg13[%mul3A_4, %dma_start3A_27] : memref<10112x128xf32, #tpu.memory_space<vmem_shared>> -> memref<632x128xf32, #tpu.memory_space<vmem_shared>>
      %dma_start3A_29 = arith.constant 0 : i32
      %dma_start3A_30 = tpu.memref_slice %arg5[%mul3A_2, %dma_start3A_29] : memref<10112x128xf32, #tpu.memory_space<hbm>> -> memref<632x128xf32, #tpu.memory_space<hbm>>
      tpu.enqueue_dma source(%dma_start3A_30 : memref<632x128xf32, #tpu.memory_space<hbm>>) target(%dma_start3A_28 : memref<632x128xf32, #tpu.memory_space<vmem_shared>>) target_semaphore(%run_scoped3A : memref<!tpu.dma_semaphore, #tpu.memory_space<semaphore_mem>>)
      %dma_wait3A = arith.constant 0 : i32
      %dma_wait3A_31 = tpu.memref_slice %arg13[%mul3A_4, %dma_wait3A] : memref<10112x128xf32, #tpu.memory_space<vmem_shared>> -> memref<632x128xf32, #tpu.memory_space<vmem_shared>>
      %dma_wait3A_32 = arith.constant 0 : i32
      %dma_wait3A_33 = tpu.memref_slice %arg5[%mul3A_2, %dma_wait3A_32] : memref<10112x128xf32, #tpu.memory_space<hbm>> -> memref<632x128xf32, #tpu.memory_space<hbm>>
      tpu.wait_dma2 semaphore(%run_scoped3A : memref<!tpu.dma_semaphore, #tpu.memory_space<semaphore_mem>>) src(%dma_wait3A_33 : memref<632x128xf32, #tpu.memory_space<hbm>>) dst(%dma_wait3A_31 : memref<632x128xf32, #tpu.memory_space<vmem_shared>>)
      tpu.yield
    }) : () -> ()
    "tpu.region"() ({
      %run_scoped3A = tpu.sem_alloc : memref<!tpu.dma_semaphore, #tpu.memory_space<semaphore_mem>>
      %dma_start3A_27 = arith.constant 0 : i32
      %dma_start3A_28 = arith.constant 0 : i32
      %dma_start3A_29 = tpu.memref_slice %arg2[%add3A, %dma_start3A_27, %dma_start3A_28] : memref<32x180x56xi32, #tpu.memory_space<hbm>> -> memref<1x180x56xi32, #tpu.memory_space<hbm>>
      %dma_start3A_30 = tpu.memref_squeeze %dma_start3A_29 : memref<1x180x56xi32, #tpu.memory_space<hbm>> -> memref<180x56xi32, #tpu.memory_space<hbm>>
      %dma_start3A_31 = arith.constant 0 : i32
      %dma_start3A_32 = arith.constant 0 : i32
      %dma_start3A_33 = tpu.memref_slice %arg2[%add3A, %dma_start3A_31, %dma_start3A_32] : memref<32x180x56xi32, #tpu.memory_space<hbm>> -> memref<1x180x56xi32, #tpu.memory_space<hbm>>
      %dma_start3A_34 = tpu.memref_squeeze %dma_start3A_33 : memref<1x180x56xi32, #tpu.memory_space<hbm>> -> memref<180x56xi32, #tpu.memory_space<hbm>>
      tpu.enqueue_dma source(%dma_start3A_34 : memref<180x56xi32, #tpu.memory_space<hbm>>) target(%arg7 : memref<180x56xi32, #tpu.memory_space<vmem>>) target_semaphore(%run_scoped3A : memref<!tpu.dma_semaphore, #tpu.memory_space<semaphore_mem>>)
      %dma_wait3A = arith.constant 0 : i32
      %dma_wait3A_35 = arith.constant 0 : i32
      %dma_wait3A_36 = tpu.memref_slice %arg2[%add3A, %dma_wait3A, %dma_wait3A_35] : memref<32x180x56xi32, #tpu.memory_space<hbm>> -> memref<1x180x56xi32, #tpu.memory_space<hbm>>
      %dma_wait3A_37 = tpu.memref_squeeze %dma_wait3A_36 : memref<1x180x56xi32, #tpu.memory_space<hbm>> -> memref<180x56xi32, #tpu.memory_space<hbm>>
      %dma_wait3A_38 = arith.constant 0 : i32
      %dma_wait3A_39 = arith.constant 0 : i32
      %dma_wait3A_40 = tpu.memref_slice %arg2[%add3A, %dma_wait3A_38, %dma_wait3A_39] : memref<32x180x56xi32, #tpu.memory_space<hbm>> -> memref<1x180x56xi32, #tpu.memory_space<hbm>>
      %dma_wait3A_41 = tpu.memref_squeeze %dma_wait3A_40 : memref<1x180x56xi32, #tpu.memory_space<hbm>> -> memref<180x56xi32, #tpu.memory_space<hbm>>
      tpu.wait_dma2 semaphore(%run_scoped3A : memref<!tpu.dma_semaphore, #tpu.memory_space<semaphore_mem>>) src(%dma_wait3A_41 : memref<180x56xi32, #tpu.memory_space<hbm>>) dst(%arg7 : memref<180x56xi32, #tpu.memory_space<vmem>>)
      tpu.yield
    }) : () -> ()
    "tpu.region"() ({
      %run_scoped3A = tpu.sem_alloc : memref<!tpu.dma_semaphore, #tpu.memory_space<semaphore_mem>>
      %dma_start3A_27 = arith.constant 0 : i32
      %dma_start3A_28 = arith.constant 0 : i32
      %dma_start3A_29 = tpu.memref_slice %arg3[%add3A, %dma_start3A_27, %dma_start3A_28] : memref<32x180x56xi32, #tpu.memory_space<hbm>> -> memref<1x180x56xi32, #tpu.memory_space<hbm>>
      %dma_start3A_30 = tpu.memref_squeeze %dma_start3A_29 : memref<1x180x56xi32, #tpu.memory_space<hbm>> -> memref<180x56xi32, #tpu.memory_space<hbm>>
      %dma_start3A_31 = arith.constant 0 : i32
      %dma_start3A_32 = arith.constant 0 : i32
      %dma_start3A_33 = tpu.memref_slice %arg3[%add3A, %dma_start3A_31, %dma_start3A_32] : memref<32x180x56xi32, #tpu.memory_space<hbm>> -> memref<1x180x56xi32, #tpu.memory_space<hbm>>
      %dma_start3A_34 = tpu.memref_squeeze %dma_start3A_33 : memref<1x180x56xi32, #tpu.memory_space<hbm>> -> memref<180x56xi32, #tpu.memory_space<hbm>>
      tpu.enqueue_dma source(%dma_start3A_34 : memref<180x56xi32, #tpu.memory_space<hbm>>) target(%arg8 : memref<180x56xi32, #tpu.memory_space<vmem>>) target_semaphore(%run_scoped3A : memref<!tpu.dma_semaphore, #tpu.memory_space<semaphore_mem>>)
      %dma_wait3A = arith.constant 0 : i32
      %dma_wait3A_35 = arith.constant 0 : i32
      %dma_wait3A_36 = tpu.memref_slice %arg3[%add3A, %dma_wait3A, %dma_wait3A_35] : memref<32x180x56xi32, #tpu.memory_space<hbm>> -> memref<1x180x56xi32, #tpu.memory_space<hbm>>
      %dma_wait3A_37 = tpu.memref_squeeze %dma_wait3A_36 : memref<1x180x56xi32, #tpu.memory_space<hbm>> -> memref<180x56xi32, #tpu.memory_space<hbm>>
      %dma_wait3A_38 = arith.constant 0 : i32
      %dma_wait3A_39 = arith.constant 0 : i32
      %dma_wait3A_40 = tpu.memref_slice %arg3[%add3A, %dma_wait3A_38, %dma_wait3A_39] : memref<32x180x56xi32, #tpu.memory_space<hbm>> -> memref<1x180x56xi32, #tpu.memory_space<hbm>>
      %dma_wait3A_41 = tpu.memref_squeeze %dma_wait3A_40 : memref<1x180x56xi32, #tpu.memory_space<hbm>> -> memref<180x56xi32, #tpu.memory_space<hbm>>
      tpu.wait_dma2 semaphore(%run_scoped3A : memref<!tpu.dma_semaphore, #tpu.memory_space<semaphore_mem>>) src(%dma_wait3A_41 : memref<180x56xi32, #tpu.memory_space<hbm>>) dst(%arg8 : memref<180x56xi32, #tpu.memory_space<vmem>>)
      tpu.yield
    }) : () -> ()
    %barrier3A = arith.constant 0 : index
    tpu.barrier barrier_id(%barrier3A)
    %dma_start3A = arith.constant 0 : i32
    %dma_start3A_5 = arith.constant 0 : i32
    %dma_start3A_6 = tpu.memref_slice %arg7[%dma_start3A, %dma_start3A_5] : memref<180x56xi32, #tpu.memory_space<vmem>> -> memref<1x56xi32, #tpu.memory_space<vmem>>
    %dma_start3A_7 = tpu.memref_squeeze %dma_start3A_6 : memref<1x56xi32, #tpu.memory_space<vmem>> -> memref<56xi32, #tpu.memory_space<vmem>>
    %dma_start3A_8 = arith.constant 0 : i32
    %dma_start3A_9 = arith.constant 0 : i32
    %dma_start3A_10 = tpu.memref_slice %arg4[%dma_start3A_8, %dma_start3A_9] : memref<10000x128xf32, #tpu.memory_space<hbm>> -> memref<10000x128xf32, #tpu.memory_space<hbm>>
    tpu.enqueue_indirect_dma source(%dma_start3A_10 : memref<10000x128xf32, #tpu.memory_space<hbm>>) target(%arg9 : memref<56x128xf32, #tpu.memory_space<vmem>>) offsets(%dma_start3A_7 : memref<56xi32, #tpu.memory_space<vmem>>) semaphore(%arg14 : memref<!tpu.dma_semaphore, #tpu.memory_space<semaphore_mem>>)
    %dma_start3A_11 = arith.constant 1 : i32
    %dma_start3A_12 = arith.constant 0 : i32
    %dma_start3A_13 = tpu.memref_slice %arg7[%dma_start3A_11, %dma_start3A_12] : memref<180x56xi32, #tpu.memory_space<vmem>> -> memref<1x56xi32, #tpu.memory_space<vmem>>
    %dma_start3A_14 = tpu.memref_squeeze %dma_start3A_13 : memref<1x56xi32, #tpu.memory_space<vmem>> -> memref<56xi32, #tpu.memory_space<vmem>>
    %dma_start3A_15 = arith.constant 0 : i32
    %dma_start3A_16 = arith.constant 0 : i32
    %dma_start3A_17 = tpu.memref_slice %arg4[%dma_start3A_15, %dma_start3A_16] : memref<10000x128xf32, #tpu.memory_space<hbm>> -> memref<10000x128xf32, #tpu.memory_space<hbm>>
    tpu.enqueue_indirect_dma source(%dma_start3A_17 : memref<10000x128xf32, #tpu.memory_space<hbm>>) target(%arg10 : memref<56x128xf32, #tpu.memory_space<vmem>>) offsets(%dma_start3A_14 : memref<56xi32, #tpu.memory_space<vmem>>) semaphore(%arg15 : memref<!tpu.dma_semaphore, #tpu.memory_space<semaphore_mem>>)
    %scan3A = arith.constant 0 : i32
    %scan3A_18 = arith.constant 45 : i32
    %scan3A_19 = arith.addi %scan3A, %scan3A_18 : i32
    %scan3A_20 = arith.constant 1 : i32
    scf.for %scan3A_27 = %scan3A to %scan3A_19 step %scan3A_20  : i32 {
      %mul3A_28 = arith.constant 4 : i32
      %mul3A_29 = arith.muli %scan3A_27, %mul3A_28 : i32
      %add3A_30 = arith.constant 0 : i32
      %add3A_31 = arith.addi %add3A_30, %mul3A_29 : i32
      %dma_wait3A = arith.constant 0 : i32
      %dma_wait3A_32 = tpu.memref_slice %arg7[%add3A_31, %dma_wait3A] : memref<180x56xi32, #tpu.memory_space<vmem>> -> memref<1x56xi32, #tpu.memory_space<vmem>>
      %dma_wait3A_33 = tpu.memref_squeeze %dma_wait3A_32 : memref<1x56xi32, #tpu.memory_space<vmem>> -> memref<56xi32, #tpu.memory_space<vmem>>
      %dma_wait3A_34 = arith.constant 0 : i32
      %dma_wait3A_35 = arith.constant 0 : i32
      %dma_wait3A_36 = tpu.memref_slice %arg4[%dma_wait3A_34, %dma_wait3A_35] : memref<10000x128xf32, #tpu.memory_space<hbm>> -> memref<10000x128xf32, #tpu.memory_space<hbm>>
      tpu.wait_indirect_dma semaphore(%arg14 : memref<!tpu.dma_semaphore, #tpu.memory_space<semaphore_mem>>) src(%dma_wait3A_36 : memref<10000x128xf32, #tpu.memory_space<hbm>>) dst(%arg9 : memref<56x128xf32, #tpu.memory_space<vmem>>)
      %add3A_37 = arith.constant 1 : i32
      %add3A_38 = arith.addi %add3A_31, %add3A_37 : i32
      %dma_wait3A_39 = arith.constant 0 : i32
      %dma_wait3A_40 = tpu.memref_slice %arg7[%add3A_38, %dma_wait3A_39] : memref<180x56xi32, #tpu.memory_space<vmem>> -> memref<1x56xi32, #tpu.memory_space<vmem>>
      %dma_wait3A_41 = tpu.memref_squeeze %dma_wait3A_40 : memref<1x56xi32, #tpu.memory_space<vmem>> -> memref<56xi32, #tpu.memory_space<vmem>>
      %dma_wait3A_42 = arith.constant 0 : i32
      %dma_wait3A_43 = arith.constant 0 : i32
      %dma_wait3A_44 = tpu.memref_slice %arg4[%dma_wait3A_42, %dma_wait3A_43] : memref<10000x128xf32, #tpu.memory_space<hbm>> -> memref<10000x128xf32, #tpu.memory_space<hbm>>
      tpu.wait_indirect_dma semaphore(%arg15 : memref<!tpu.dma_semaphore, #tpu.memory_space<semaphore_mem>>) src(%dma_wait3A_44 : memref<10000x128xf32, #tpu.memory_space<hbm>>) dst(%arg10 : memref<56x128xf32, #tpu.memory_space<vmem>>)
      %dma_start3A_45 = arith.constant 0 : i32
      %dma_start3A_46 = tpu.memref_slice %arg8[%add3A_31, %dma_start3A_45] : memref<180x56xi32, #tpu.memory_space<vmem>> -> memref<1x56xi32, #tpu.memory_space<vmem>>
      %dma_start3A_47 = tpu.memref_squeeze %dma_start3A_46 : memref<1x56xi32, #tpu.memory_space<vmem>> -> memref<56xi32, #tpu.memory_space<vmem>>
      %dma_start3A_48 = arith.constant 0 : i32
      %dma_start3A_49 = arith.constant 0 : i32
      %dma_start3A_50 = tpu.memref_slice %arg13[%dma_start3A_48, %dma_start3A_49] : memref<10112x128xf32, #tpu.memory_space<vmem_shared>> -> memref<10112x128xf32, #tpu.memory_space<vmem_shared>>
      tpu.enqueue_indirect_dma source(%arg9 : memref<56x128xf32, #tpu.memory_space<vmem>>) target(%dma_start3A_50 : memref<10112x128xf32, #tpu.memory_space<vmem_shared>>) offsets(%dma_start3A_47 : memref<56xi32, #tpu.memory_space<vmem>>) semaphore(%arg18 : memref<!tpu.dma_semaphore, #tpu.memory_space<semaphore_mem>>) {add = true}
      %add3A_51 = arith.constant 1 : i32
      %add3A_52 = arith.addi %add3A_31, %add3A_51 : i32
      %dma_start3A_53 = arith.constant 0 : i32
      %dma_start3A_54 = tpu.memref_slice %arg8[%add3A_52, %dma_start3A_53] : memref<180x56xi32, #tpu.memory_space<vmem>> -> memref<1x56xi32, #tpu.memory_space<vmem>>
      %dma_start3A_55 = tpu.memref_squeeze %dma_start3A_54 : memref<1x56xi32, #tpu.memory_space<vmem>> -> memref<56xi32, #tpu.memory_space<vmem>>
      %dma_start3A_56 = arith.constant 0 : i32
      %dma_start3A_57 = arith.constant 0 : i32
      %dma_start3A_58 = tpu.memref_slice %arg13[%dma_start3A_56, %dma_start3A_57] : memref<10112x128xf32, #tpu.memory_space<vmem_shared>> -> memref<10112x128xf32, #tpu.memory_space<vmem_shared>>
      tpu.enqueue_indirect_dma source(%arg10 : memref<56x128xf32, #tpu.memory_space<vmem>>) target(%dma_start3A_58 : memref<10112x128xf32, #tpu.memory_space<vmem_shared>>) offsets(%dma_start3A_55 : memref<56xi32, #tpu.memory_space<vmem>>) semaphore(%arg19 : memref<!tpu.dma_semaphore, #tpu.memory_space<semaphore_mem>>) {add = true}
      %add3A_59 = arith.constant 2 : i32
      %add3A_60 = arith.addi %add3A_31, %add3A_59 : i32
      %dma_start3A_61 = arith.constant 0 : i32
      %dma_start3A_62 = tpu.memref_slice %arg7[%add3A_60, %dma_start3A_61] : memref<180x56xi32, #tpu.memory_space<vmem>> -> memref<1x56xi32, #tpu.memory_space<vmem>>
      %dma_start3A_63 = tpu.memref_squeeze %dma_start3A_62 : memref<1x56xi32, #tpu.memory_space<vmem>> -> memref<56xi32, #tpu.memory_space<vmem>>
      %dma_start3A_64 = arith.constant 0 : i32
      %dma_start3A_65 = arith.constant 0 : i32
      %dma_start3A_66 = tpu.memref_slice %arg4[%dma_start3A_64, %dma_start3A_65] : memref<10000x128xf32, #tpu.memory_space<hbm>> -> memref<10000x128xf32, #tpu.memory_space<hbm>>
      tpu.enqueue_indirect_dma source(%dma_start3A_66 : memref<10000x128xf32, #tpu.memory_space<hbm>>) target(%arg11 : memref<56x128xf32, #tpu.memory_space<vmem>>) offsets(%dma_start3A_63 : memref<56xi32, #tpu.memory_space<vmem>>) semaphore(%arg16 : memref<!tpu.dma_semaphore, #tpu.memory_space<semaphore_mem>>)
      %add3A_67 = arith.constant 3 : i32
      %add3A_68 = arith.addi %add3A_31, %add3A_67 : i32
      %dma_start3A_69 = arith.constant 0 : i32
      %dma_start3A_70 = tpu.memref_slice %arg7[%add3A_68, %dma_start3A_69] : memref<180x56xi32, #tpu.memory_space<vmem>> -> memref<1x56xi32, #tpu.memory_space<vmem>>
      %dma_start3A_71 = tpu.memref_squeeze %dma_start3A_70 : memref<1x56xi32, #tpu.memory_space<vmem>> -> memref<56xi32, #tpu.memory_space<vmem>>
      %dma_start3A_72 = arith.constant 0 : i32
      %dma_start3A_73 = arith.constant 0 : i32
      %dma_start3A_74 = tpu.memref_slice %arg4[%dma_start3A_72, %dma_start3A_73] : memref<10000x128xf32, #tpu.memory_space<hbm>> -> memref<10000x128xf32, #tpu.memory_space<hbm>>
      tpu.enqueue_indirect_dma source(%dma_start3A_74 : memref<10000x128xf32, #tpu.memory_space<hbm>>) target(%arg12 : memref<56x128xf32, #tpu.memory_space<vmem>>) offsets(%dma_start3A_71 : memref<56xi32, #tpu.memory_space<vmem>>) semaphore(%arg17 : memref<!tpu.dma_semaphore, #tpu.memory_space<semaphore_mem>>)
      %dma_wait3A_75 = arith.constant 0 : i32
      %dma_wait3A_76 = tpu.memref_slice %arg8[%add3A_31, %dma_wait3A_75] : memref<180x56xi32, #tpu.memory_space<vmem>> -> memref<1x56xi32, #tpu.memory_space<vmem>>
      %dma_wait3A_77 = tpu.memref_squeeze %dma_wait3A_76 : memref<1x56xi32, #tpu.memory_space<vmem>> -> memref<56xi32, #tpu.memory_space<vmem>>
      %dma_wait3A_78 = arith.constant 0 : i32
      %dma_wait3A_79 = arith.constant 0 : i32
      %dma_wait3A_80 = tpu.memref_slice %arg13[%dma_wait3A_78, %dma_wait3A_79] : memref<10112x128xf32, #tpu.memory_space<vmem_shared>> -> memref<10112x128xf32, #tpu.memory_space<vmem_shared>>
      tpu.wait_indirect_dma semaphore(%arg18 : memref<!tpu.dma_semaphore, #tpu.memory_space<semaphore_mem>>) src(%arg9 : memref<56x128xf32, #tpu.memory_space<vmem>>) dst(%dma_wait3A_80 : memref<10112x128xf32, #tpu.memory_space<vmem_shared>>)
      %add3A_81 = arith.constant 1 : i32
      %add3A_82 = arith.addi %add3A_31, %add3A_81 : i32
      %dma_wait3A_83 = arith.constant 0 : i32
      %dma_wait3A_84 = tpu.memref_slice %arg8[%add3A_82, %dma_wait3A_83] : memref<180x56xi32, #tpu.memory_space<vmem>> -> memref<1x56xi32, #tpu.memory_space<vmem>>
      %dma_wait3A_85 = tpu.memref_squeeze %dma_wait3A_84 : memref<1x56xi32, #tpu.memory_space<vmem>> -> memref<56xi32, #tpu.memory_space<vmem>>
      %dma_wait3A_86 = arith.constant 0 : i32
      %dma_wait3A_87 = arith.constant 0 : i32
      %dma_wait3A_88 = tpu.memref_slice %arg13[%dma_wait3A_86, %dma_wait3A_87] : memref<10112x128xf32, #tpu.memory_space<vmem_shared>> -> memref<10112x128xf32, #tpu.memory_space<vmem_shared>>
      tpu.wait_indirect_dma semaphore(%arg19 : memref<!tpu.dma_semaphore, #tpu.memory_space<semaphore_mem>>) src(%arg10 : memref<56x128xf32, #tpu.memory_space<vmem>>) dst(%dma_wait3A_88 : memref<10112x128xf32, #tpu.memory_space<vmem_shared>>)
      %add3A_89 = arith.constant 2 : i32
      %add3A_90 = arith.addi %add3A_31, %add3A_89 : i32
      %dma_wait3A_91 = arith.constant 0 : i32
      %dma_wait3A_92 = tpu.memref_slice %arg7[%add3A_90, %dma_wait3A_91] : memref<180x56xi32, #tpu.memory_space<vmem>> -> memref<1x56xi32, #tpu.memory_space<vmem>>
      %dma_wait3A_93 = tpu.memref_squeeze %dma_wait3A_92 : memref<1x56xi32, #tpu.memory_space<vmem>> -> memref<56xi32, #tpu.memory_space<vmem>>
      %dma_wait3A_94 = arith.constant 0 : i32
      %dma_wait3A_95 = arith.constant 0 : i32
      %dma_wait3A_96 = tpu.memref_slice %arg4[%dma_wait3A_94, %dma_wait3A_95] : memref<10000x128xf32, #tpu.memory_space<hbm>> -> memref<10000x128xf32, #tpu.memory_space<hbm>>
      tpu.wait_indirect_dma semaphore(%arg16 : memref<!tpu.dma_semaphore, #tpu.memory_space<semaphore_mem>>) src(%dma_wait3A_96 : memref<10000x128xf32, #tpu.memory_space<hbm>>) dst(%arg11 : memref<56x128xf32, #tpu.memory_space<vmem>>)
      %add3A_97 = arith.constant 3 : i32
      %add3A_98 = arith.addi %add3A_31, %add3A_97 : i32
      %dma_wait3A_99 = arith.constant 0 : i32
      %dma_wait3A_100 = tpu.memref_slice %arg7[%add3A_98, %dma_wait3A_99] : memref<180x56xi32, #tpu.memory_space<vmem>> -> memref<1x56xi32, #tpu.memory_space<vmem>>
      %dma_wait3A_101 = tpu.memref_squeeze %dma_wait3A_100 : memref<1x56xi32, #tpu.memory_space<vmem>> -> memref<56xi32, #tpu.memory_space<vmem>>
      %dma_wait3A_102 = arith.constant 0 : i32
      %dma_wait3A_103 = arith.constant 0 : i32
      %dma_wait3A_104 = tpu.memref_slice %arg4[%dma_wait3A_102, %dma_wait3A_103] : memref<10000x128xf32, #tpu.memory_space<hbm>> -> memref<10000x128xf32, #tpu.memory_space<hbm>>
      tpu.wait_indirect_dma semaphore(%arg17 : memref<!tpu.dma_semaphore, #tpu.memory_space<semaphore_mem>>) src(%dma_wait3A_104 : memref<10000x128xf32, #tpu.memory_space<hbm>>) dst(%arg12 : memref<56x128xf32, #tpu.memory_space<vmem>>)
      %add3A_105 = arith.constant 2 : i32
      %add3A_106 = arith.addi %add3A_31, %add3A_105 : i32
      %dma_start3A_107 = arith.constant 0 : i32
      %dma_start3A_108 = tpu.memref_slice %arg8[%add3A_106, %dma_start3A_107] : memref<180x56xi32, #tpu.memory_space<vmem>> -> memref<1x56xi32, #tpu.memory_space<vmem>>
      %dma_start3A_109 = tpu.memref_squeeze %dma_start3A_108 : memref<1x56xi32, #tpu.memory_space<vmem>> -> memref<56xi32, #tpu.memory_space<vmem>>
      %dma_start3A_110 = arith.constant 0 : i32
      %dma_start3A_111 = arith.constant 0 : i32
      %dma_start3A_112 = tpu.memref_slice %arg13[%dma_start3A_110, %dma_start3A_111] : memref<10112x128xf32, #tpu.memory_space<vmem_shared>> -> memref<10112x128xf32, #tpu.memory_space<vmem_shared>>
      tpu.enqueue_indirect_dma source(%arg11 : memref<56x128xf32, #tpu.memory_space<vmem>>) target(%dma_start3A_112 : memref<10112x128xf32, #tpu.memory_space<vmem_shared>>) offsets(%dma_start3A_109 : memref<56xi32, #tpu.memory_space<vmem>>) semaphore(%arg20 : memref<!tpu.dma_semaphore, #tpu.memory_space<semaphore_mem>>) {add = true}
      %add3A_113 = arith.constant 3 : i32
      %add3A_114 = arith.addi %add3A_31, %add3A_113 : i32
      %dma_start3A_115 = arith.constant 0 : i32
      %dma_start3A_116 = tpu.memref_slice %arg8[%add3A_114, %dma_start3A_115] : memref<180x56xi32, #tpu.memory_space<vmem>> -> memref<1x56xi32, #tpu.memory_space<vmem>>
      %dma_start3A_117 = tpu.memref_squeeze %dma_start3A_116 : memref<1x56xi32, #tpu.memory_space<vmem>> -> memref<56xi32, #tpu.memory_space<vmem>>
      %dma_start3A_118 = arith.constant 0 : i32
      %dma_start3A_119 = arith.constant 0 : i32
      %dma_start3A_120 = tpu.memref_slice %arg13[%dma_start3A_118, %dma_start3A_119] : memref<10112x128xf32, #tpu.memory_space<vmem_shared>> -> memref<10112x128xf32, #tpu.memory_space<vmem_shared>>
      tpu.enqueue_indirect_dma source(%arg12 : memref<56x128xf32, #tpu.memory_space<vmem>>) target(%dma_start3A_120 : memref<10112x128xf32, #tpu.memory_space<vmem_shared>>) offsets(%dma_start3A_117 : memref<56xi32, #tpu.memory_space<vmem>>) semaphore(%arg21 : memref<!tpu.dma_semaphore, #tpu.memory_space<semaphore_mem>>) {add = true}
      %add3A_121 = arith.constant 4 : i32
      %add3A_122 = arith.addi %add3A_31, %add3A_121 : i32
      %lt3A = arith.constant 180 : i32
      %lt3A_123 = arith.cmpi slt, %add3A_122, %lt3A : i32
      %convert_element_type3A = arith.extui %lt3A_123 : i1 to i32
      %cond3A = arith.constant 0 : i32
      %cond3A_124 = arith.cmpi ne, %convert_element_type3A, %cond3A : i32
      scf.if %cond3A_124 {
        %add3A_141 = arith.constant 4 : i32
        %add3A_142 = arith.addi %add3A_31, %add3A_141 : i32
        %dma_start3A_143 = arith.constant 0 : i32
        %dma_start3A_144 = tpu.memref_slice %arg7[%add3A_142, %dma_start3A_143] : memref<180x56xi32, #tpu.memory_space<vmem>> -> memref<1x56xi32, #tpu.memory_space<vmem>>
        %dma_start3A_145 = tpu.memref_squeeze %dma_start3A_144 : memref<1x56xi32, #tpu.memory_space<vmem>> -> memref<56xi32, #tpu.memory_space<vmem>>
        %dma_start3A_146 = arith.constant 0 : i32
        %dma_start3A_147 = arith.constant 0 : i32
        %dma_start3A_148 = tpu.memref_slice %arg4[%dma_start3A_146, %dma_start3A_147] : memref<10000x128xf32, #tpu.memory_space<hbm>> -> memref<10000x128xf32, #tpu.memory_space<hbm>>
        tpu.enqueue_indirect_dma source(%dma_start3A_148 : memref<10000x128xf32, #tpu.memory_space<hbm>>) target(%arg9 : memref<56x128xf32, #tpu.memory_space<vmem>>) offsets(%dma_start3A_145 : memref<56xi32, #tpu.memory_space<vmem>>) semaphore(%arg14 : memref<!tpu.dma_semaphore, #tpu.memory_space<semaphore_mem>>)
        %add3A_149 = arith.constant 5 : i32
        %add3A_150 = arith.addi %add3A_31, %add3A_149 : i32
        %dma_start3A_151 = arith.constant 0 : i32
        %dma_start3A_152 = tpu.memref_slice %arg7[%add3A_150, %dma_start3A_151] : memref<180x56xi32, #tpu.memory_space<vmem>> -> memref<1x56xi32, #tpu.memory_space<vmem>>
        %dma_start3A_153 = tpu.memref_squeeze %dma_start3A_152 : memref<1x56xi32, #tpu.memory_space<vmem>> -> memref<56xi32, #tpu.memory_space<vmem>>
        %dma_start3A_154 = arith.constant 0 : i32
        %dma_start3A_155 = arith.constant 0 : i32
        %dma_start3A_156 = tpu.memref_slice %arg4[%dma_start3A_154, %dma_start3A_155] : memref<10000x128xf32, #tpu.memory_space<hbm>> -> memref<10000x128xf32, #tpu.memory_space<hbm>>
        tpu.enqueue_indirect_dma source(%dma_start3A_156 : memref<10000x128xf32, #tpu.memory_space<hbm>>) target(%arg10 : memref<56x128xf32, #tpu.memory_space<vmem>>) offsets(%dma_start3A_153 : memref<56xi32, #tpu.memory_space<vmem>>) semaphore(%arg15 : memref<!tpu.dma_semaphore, #tpu.memory_space<semaphore_mem>>)
      } else {
      }
      %add3A_125 = arith.constant 2 : i32
      %add3A_126 = arith.addi %add3A_31, %add3A_125 : i32
      %dma_wait3A_127 = arith.constant 0 : i32
      %dma_wait3A_128 = tpu.memref_slice %arg8[%add3A_126, %dma_wait3A_127] : memref<180x56xi32, #tpu.memory_space<vmem>> -> memref<1x56xi32, #tpu.memory_space<vmem>>
      %dma_wait3A_129 = tpu.memref_squeeze %dma_wait3A_128 : memref<1x56xi32, #tpu.memory_space<vmem>> -> memref<56xi32, #tpu.memory_space<vmem>>
      %dma_wait3A_130 = arith.constant 0 : i32
      %dma_wait3A_131 = arith.constant 0 : i32
      %dma_wait3A_132 = tpu.memref_slice %arg13[%dma_wait3A_130, %dma_wait3A_131] : memref<10112x128xf32, #tpu.memory_space<vmem_shared>> -> memref<10112x128xf32, #tpu.memory_space<vmem_shared>>
      tpu.wait_indirect_dma semaphore(%arg20 : memref<!tpu.dma_semaphore, #tpu.memory_space<semaphore_mem>>) src(%arg11 : memref<56x128xf32, #tpu.memory_space<vmem>>) dst(%dma_wait3A_132 : memref<10112x128xf32, #tpu.memory_space<vmem_shared>>)
      %add3A_133 = arith.constant 3 : i32
      %add3A_134 = arith.addi %add3A_31, %add3A_133 : i32
      %dma_wait3A_135 = arith.constant 0 : i32
      %dma_wait3A_136 = tpu.memref_slice %arg8[%add3A_134, %dma_wait3A_135] : memref<180x56xi32, #tpu.memory_space<vmem>> -> memref<1x56xi32, #tpu.memory_space<vmem>>
      %dma_wait3A_137 = tpu.memref_squeeze %dma_wait3A_136 : memref<1x56xi32, #tpu.memory_space<vmem>> -> memref<56xi32, #tpu.memory_space<vmem>>
      %dma_wait3A_138 = arith.constant 0 : i32
      %dma_wait3A_139 = arith.constant 0 : i32
      %dma_wait3A_140 = tpu.memref_slice %arg13[%dma_wait3A_138, %dma_wait3A_139] : memref<10112x128xf32, #tpu.memory_space<vmem_shared>> -> memref<10112x128xf32, #tpu.memory_space<vmem_shared>>
      tpu.wait_indirect_dma semaphore(%arg21 : memref<!tpu.dma_semaphore, #tpu.memory_space<semaphore_mem>>) src(%arg12 : memref<56x128xf32, #tpu.memory_space<vmem>>) dst(%dma_wait3A_140 : memref<10112x128xf32, #tpu.memory_space<vmem_shared>>)
    }
    %scan3A_21 = arith.constant 45 : i32
    %barrier3A_22 = arith.constant 0 : index
    tpu.barrier barrier_id(%barrier3A_22)
    %mul3A_23 = arith.constant 632 : i32
    %mul3A_24 = arith.muli %arg1, %mul3A_23 : i32
    %mul3A_25 = arith.constant 632 : i32
    %mul3A_26 = arith.muli %arg1, %mul3A_25 : i32
    "tpu.region"() ({
      %run_scoped3A = tpu.sem_alloc : memref<!tpu.dma_semaphore, #tpu.memory_space<semaphore_mem>>
      %dma_start3A_27 = arith.constant 0 : i32
      %dma_start3A_28 = tpu.memref_slice %arg6[%arg0, %mul3A_26, %dma_start3A_27] : memref<2x10112x128xf32, #tpu.memory_space<hbm>> -> memref<1x632x128xf32, #tpu.memory_space<hbm>>
      %dma_start3A_29 = tpu.memref_squeeze %dma_start3A_28 : memref<1x632x128xf32, #tpu.memory_space<hbm>> -> memref<632x128xf32, #tpu.memory_space<hbm>>
      %dma_start3A_30 = arith.constant 0 : i32
      %dma_start3A_31 = tpu.memref_slice %arg13[%mul3A_24, %dma_start3A_30] : memref<10112x128xf32, #tpu.memory_space<vmem_shared>> -> memref<632x128xf32, #tpu.memory_space<vmem_shared>>
      tpu.enqueue_dma source(%dma_start3A_31 : memref<632x128xf32, #tpu.memory_space<vmem_shared>>) target(%dma_start3A_29 : memref<632x128xf32, #tpu.memory_space<hbm>>) target_semaphore(%run_scoped3A : memref<!tpu.dma_semaphore, #tpu.memory_space<semaphore_mem>>)
      %dma_wait3A = arith.constant 0 : i32
      %dma_wait3A_32 = tpu.memref_slice %arg6[%arg0, %mul3A_26, %dma_wait3A] : memref<2x10112x128xf32, #tpu.memory_space<hbm>> -> memref<1x632x128xf32, #tpu.memory_space<hbm>>
      %dma_wait3A_33 = tpu.memref_squeeze %dma_wait3A_32 : memref<1x632x128xf32, #tpu.memory_space<hbm>> -> memref<632x128xf32, #tpu.memory_space<hbm>>
      %dma_wait3A_34 = arith.constant 0 : i32
      %dma_wait3A_35 = tpu.memref_slice %arg13[%mul3A_24, %dma_wait3A_34] : memref<10112x128xf32, #tpu.memory_space<vmem_shared>> -> memref<632x128xf32, #tpu.memory_space<vmem_shared>>
      tpu.wait_dma2 semaphore(%run_scoped3A : memref<!tpu.dma_semaphore, #tpu.memory_space<semaphore_mem>>) src(%dma_wait3A_35 : memref<632x128xf32, #tpu.memory_space<vmem_shared>>) dst(%dma_wait3A_33 : memref<632x128xf32, #tpu.memory_space<hbm>>)
      tpu.yield
    }) : () -> ()
    return
  }
}

#map = affine_map<(d0, d1) -> (0, 0, 0)>
#map1 = affine_map<(d0, d1) -> (0, 0)>
module attributes {stable_mosaic.version = 14 : i64} {
  func.func @k(%arg0: i32, %arg1: i32, %arg2: memref<32x180x56xi32, #tpu.memory_space<hbm>>, %arg3: memref<32x180x56xi32, #tpu.memory_space<hbm>>, %arg4: memref<10000x48xf32, #tpu.memory_space<hbm>>, %arg5: memref<10112x48xf32, #tpu.memory_space<hbm>>, %arg6: memref<2x10112x48xf32, #tpu.memory_space<hbm>>, %arg7: memref<180x56xi32, #tpu.memory_space<vmem>>, %arg8: memref<180x56xi32, #tpu.memory_space<vmem>>, %arg9: memref<56x48xf32, #tpu.memory_space<vmem>>, %arg10: memref<56x48xf32, #tpu.memory_space<vmem>>, %arg11: memref<56x48xf32, #tpu.memory_space<vmem>>, %arg12: memref<56x48xf32, #tpu.memory_space<vmem>>, %arg13: memref<10112x48xf32, #tpu.memory_space<vmem_shared>>, %arg14: memref<!tpu.dma_semaphore, #tpu.memory_space<semaphore_mem>>, %arg15: memref<!tpu.dma_semaphore, #tpu.memory_space<semaphore_mem>>, %arg16: memref<!tpu.dma_semaphore, #tpu.memory_space<semaphore_mem>>, %arg17: memref<!tpu.dma_semaphore, #tpu.memory_space<semaphore_mem>>, %arg18: memref<!tpu.dma_semaphore, #tpu.memory_space<semaphore_mem>>, %arg19: memref<!tpu.dma_semaphore, #tpu.memory_space<semaphore_mem>>, %arg20: memref<!tpu.dma_semaphore, #tpu.memory_space<semaphore_mem>>, %arg21: memref<!tpu.dma_semaphore, #tpu.memory_space<semaphore_mem>>) attributes {dimension_semantics = [#tpu.dimension_semantics<core_parallel>, #tpu.dimension_semantics<subcore_parallel>], iteration_bounds = array<i64: 2, 16>, scalar_prefetch = 0 : i64, scratch_operands = 15 : i64, tpu.core_type = #tpu.core_type<sc_vector_subcore>, window_params = [{transform_indices = #map}, {transform_indices = #map}, {transform_indices = #map1}, {transform_indices = #map1}, {transform_indices = #map}]} {
    %mul3A = arith.constant 16 : i32
    %mul3A_0 = arith.muli %arg0, %mul3A : i32
    %add3A = arith.addi %mul3A_0, %arg1 : i32
    %mul3A_1 = arith.constant 632 : i32
    %mul3A_2 = arith.muli %arg1, %mul3A_1 : i32
    %mul3A_3 = arith.constant 632 : i32
    %mul3A_4 = arith.muli %arg1, %mul3A_3 : i32
    "tpu.region"() ({
      %run_scoped3A = tpu.sem_alloc : memref<!tpu.dma_semaphore, #tpu.memory_space<semaphore_mem>>
      %dma_start3A_27 = arith.constant 0 : i32
      %dma_start3A_28 = tpu.memref_slice %arg13[%mul3A_4, %dma_start3A_27] : memref<10112x48xf32, #tpu.memory_space<vmem_shared>> -> memref<632x48xf32, #tpu.memory_space<vmem_shared>>
      %dma_start3A_29 = arith.constant 0 : i32
      %dma_start3A_30 = tpu.memref_slice %arg5[%mul3A_2, %dma_start3A_29] : memref<10112x48xf32, #tpu.memory_space<hbm>> -> memref<632x48xf32, #tpu.memory_space<hbm>>
      tpu.enqueue_dma source(%dma_start3A_30 : memref<632x48xf32, #tpu.memory_space<hbm>>) target(%dma_start3A_28 : memref<632x48xf32, #tpu.memory_space<vmem_shared>>) target_semaphore(%run_scoped3A : memref<!tpu.dma_semaphore, #tpu.memory_space<semaphore_mem>>)
      %dma_wait3A = arith.constant 0 : i32
      %dma_wait3A_31 = tpu.memref_slice %arg13[%mul3A_4, %dma_wait3A] : memref<10112x48xf32, #tpu.memory_space<vmem_shared>> -> memref<632x48xf32, #tpu.memory_space<vmem_shared>>
      %dma_wait3A_32 = arith.constant 0 : i32
      %dma_wait3A_33 = tpu.memref_slice %arg5[%mul3A_2, %dma_wait3A_32] : memref<10112x48xf32, #tpu.memory_space<hbm>> -> memref<632x48xf32, #tpu.memory_space<hbm>>
      tpu.wait_dma2 semaphore(%run_scoped3A : memref<!tpu.dma_semaphore, #tpu.memory_space<semaphore_mem>>) src(%dma_wait3A_33 : memref<632x48xf32, #tpu.memory_space<hbm>>) dst(%dma_wait3A_31 : memref<632x48xf32, #tpu.memory_space<vmem_shared>>)
      tpu.yield
    }) : () -> ()
    "tpu.region"() ({
      %run_scoped3A = tpu.sem_alloc : memref<!tpu.dma_semaphore, #tpu.memory_space<semaphore_mem>>
      %dma_start3A_27 = arith.constant 0 : i32
      %dma_start3A_28 = arith.constant 0 : i32
      %dma_start3A_29 = tpu.memref_slice %arg2[%add3A, %dma_start3A_27, %dma_start3A_28] : memref<32x180x56xi32, #tpu.memory_space<hbm>> -> memref<1x180x56xi32, #tpu.memory_space<hbm>>
      %dma_start3A_30 = tpu.memref_squeeze %dma_start3A_29 : memref<1x180x56xi32, #tpu.memory_space<hbm>> -> memref<180x56xi32, #tpu.memory_space<hbm>>
      %dma_start3A_31 = arith.constant 0 : i32
      %dma_start3A_32 = arith.constant 0 : i32
      %dma_start3A_33 = tpu.memref_slice %arg2[%add3A, %dma_start3A_31, %dma_start3A_32] : memref<32x180x56xi32, #tpu.memory_space<hbm>> -> memref<1x180x56xi32, #tpu.memory_space<hbm>>
      %dma_start3A_34 = tpu.memref_squeeze %dma_start3A_33 : memref<1x180x56xi32, #tpu.memory_space<hbm>> -> memref<180x56xi32, #tpu.memory_space<hbm>>
      tpu.enqueue_dma source(%dma_start3A_34 : memref<180x56xi32, #tpu.memory_space<hbm>>) target(%arg7 : memref<180x56xi32, #tpu.memory_space<vmem>>) target_semaphore(%run_scoped3A : memref<!tpu.dma_semaphore, #tpu.memory_space<semaphore_mem>>)
      %dma_wait3A = arith.constant 0 : i32
      %dma_wait3A_35 = arith.constant 0 : i32
      %dma_wait3A_36 = tpu.memref_slice %arg2[%add3A, %dma_wait3A, %dma_wait3A_35] : memref<32x180x56xi32, #tpu.memory_space<hbm>> -> memref<1x180x56xi32, #tpu.memory_space<hbm>>
      %dma_wait3A_37 = tpu.memref_squeeze %dma_wait3A_36 : memref<1x180x56xi32, #tpu.memory_space<hbm>> -> memref<180x56xi32, #tpu.memory_space<hbm>>
      %dma_wait3A_38 = arith.constant 0 : i32
      %dma_wait3A_39 = arith.constant 0 : i32
      %dma_wait3A_40 = tpu.memref_slice %arg2[%add3A, %dma_wait3A_38, %dma_wait3A_39] : memref<32x180x56xi32, #tpu.memory_space<hbm>> -> memref<1x180x56xi32, #tpu.memory_space<hbm>>
      %dma_wait3A_41 = tpu.memref_squeeze %dma_wait3A_40 : memref<1x180x56xi32, #tpu.memory_space<hbm>> -> memref<180x56xi32, #tpu.memory_space<hbm>>
      tpu.wait_dma2 semaphore(%run_scoped3A : memref<!tpu.dma_semaphore, #tpu.memory_space<semaphore_mem>>) src(%dma_wait3A_41 : memref<180x56xi32, #tpu.memory_space<hbm>>) dst(%arg7 : memref<180x56xi32, #tpu.memory_space<vmem>>)
      tpu.yield
    }) : () -> ()
    "tpu.region"() ({
      %run_scoped3A = tpu.sem_alloc : memref<!tpu.dma_semaphore, #tpu.memory_space<semaphore_mem>>
      %dma_start3A_27 = arith.constant 0 : i32
      %dma_start3A_28 = arith.constant 0 : i32
      %dma_start3A_29 = tpu.memref_slice %arg3[%add3A, %dma_start3A_27, %dma_start3A_28] : memref<32x180x56xi32, #tpu.memory_space<hbm>> -> memref<1x180x56xi32, #tpu.memory_space<hbm>>
      %dma_start3A_30 = tpu.memref_squeeze %dma_start3A_29 : memref<1x180x56xi32, #tpu.memory_space<hbm>> -> memref<180x56xi32, #tpu.memory_space<hbm>>
      %dma_start3A_31 = arith.constant 0 : i32
      %dma_start3A_32 = arith.constant 0 : i32
      %dma_start3A_33 = tpu.memref_slice %arg3[%add3A, %dma_start3A_31, %dma_start3A_32] : memref<32x180x56xi32, #tpu.memory_space<hbm>> -> memref<1x180x56xi32, #tpu.memory_space<hbm>>
      %dma_start3A_34 = tpu.memref_squeeze %dma_start3A_33 : memref<1x180x56xi32, #tpu.memory_space<hbm>> -> memref<180x56xi32, #tpu.memory_space<hbm>>
      tpu.enqueue_dma source(%dma_start3A_34 : memref<180x56xi32, #tpu.memory_space<hbm>>) target(%arg8 : memref<180x56xi32, #tpu.memory_space<vmem>>) target_semaphore(%run_scoped3A : memref<!tpu.dma_semaphore, #tpu.memory_space<semaphore_mem>>)
      %dma_wait3A = arith.constant 0 : i32
      %dma_wait3A_35 = arith.constant 0 : i32
      %dma_wait3A_36 = tpu.memref_slice %arg3[%add3A, %dma_wait3A, %dma_wait3A_35] : memref<32x180x56xi32, #tpu.memory_space<hbm>> -> memref<1x180x56xi32, #tpu.memory_space<hbm>>
      %dma_wait3A_37 = tpu.memref_squeeze %dma_wait3A_36 : memref<1x180x56xi32, #tpu.memory_space<hbm>> -> memref<180x56xi32, #tpu.memory_space<hbm>>
      %dma_wait3A_38 = arith.constant 0 : i32
      %dma_wait3A_39 = arith.constant 0 : i32
      %dma_wait3A_40 = tpu.memref_slice %arg3[%add3A, %dma_wait3A_38, %dma_wait3A_39] : memref<32x180x56xi32, #tpu.memory_space<hbm>> -> memref<1x180x56xi32, #tpu.memory_space<hbm>>
      %dma_wait3A_41 = tpu.memref_squeeze %dma_wait3A_40 : memref<1x180x56xi32, #tpu.memory_space<hbm>> -> memref<180x56xi32, #tpu.memory_space<hbm>>
      tpu.wait_dma2 semaphore(%run_scoped3A : memref<!tpu.dma_semaphore, #tpu.memory_space<semaphore_mem>>) src(%dma_wait3A_41 : memref<180x56xi32, #tpu.memory_space<hbm>>) dst(%arg8 : memref<180x56xi32, #tpu.memory_space<vmem>>)
      tpu.yield
    }) : () -> ()
    %barrier3A = arith.constant 0 : index
    tpu.barrier barrier_id(%barrier3A)
    %dma_start3A = arith.constant 0 : i32
    %dma_start3A_5 = arith.constant 0 : i32
    %dma_start3A_6 = tpu.memref_slice %arg7[%dma_start3A, %dma_start3A_5] : memref<180x56xi32, #tpu.memory_space<vmem>> -> memref<1x56xi32, #tpu.memory_space<vmem>>
    %dma_start3A_7 = tpu.memref_squeeze %dma_start3A_6 : memref<1x56xi32, #tpu.memory_space<vmem>> -> memref<56xi32, #tpu.memory_space<vmem>>
    %dma_start3A_8 = arith.constant 0 : i32
    %dma_start3A_9 = arith.constant 0 : i32
    %dma_start3A_10 = tpu.memref_slice %arg4[%dma_start3A_8, %dma_start3A_9] : memref<10000x48xf32, #tpu.memory_space<hbm>> -> memref<10000x48xf32, #tpu.memory_space<hbm>>
    tpu.enqueue_indirect_dma source(%dma_start3A_10 : memref<10000x48xf32, #tpu.memory_space<hbm>>) target(%arg9 : memref<56x48xf32, #tpu.memory_space<vmem>>) offsets(%dma_start3A_7 : memref<56xi32, #tpu.memory_space<vmem>>) semaphore(%arg14 : memref<!tpu.dma_semaphore, #tpu.memory_space<semaphore_mem>>)
    %dma_start3A_11 = arith.constant 1 : i32
    %dma_start3A_12 = arith.constant 0 : i32
    %dma_start3A_13 = tpu.memref_slice %arg7[%dma_start3A_11, %dma_start3A_12] : memref<180x56xi32, #tpu.memory_space<vmem>> -> memref<1x56xi32, #tpu.memory_space<vmem>>
    %dma_start3A_14 = tpu.memref_squeeze %dma_start3A_13 : memref<1x56xi32, #tpu.memory_space<vmem>> -> memref<56xi32, #tpu.memory_space<vmem>>
    %dma_start3A_15 = arith.constant 0 : i32
    %dma_start3A_16 = arith.constant 0 : i32
    %dma_start3A_17 = tpu.memref_slice %arg4[%dma_start3A_15, %dma_start3A_16] : memref<10000x48xf32, #tpu.memory_space<hbm>> -> memref<10000x48xf32, #tpu.memory_space<hbm>>
    tpu.enqueue_indirect_dma source(%dma_start3A_17 : memref<10000x48xf32, #tpu.memory_space<hbm>>) target(%arg10 : memref<56x48xf32, #tpu.memory_space<vmem>>) offsets(%dma_start3A_14 : memref<56xi32, #tpu.memory_space<vmem>>) semaphore(%arg15 : memref<!tpu.dma_semaphore, #tpu.memory_space<semaphore_mem>>)
    %scan3A = arith.constant 0 : i32
    %scan3A_18 = arith.constant 45 : i32
    %scan3A_19 = arith.addi %scan3A, %scan3A_18 : i32
    %scan3A_20 = arith.constant 1 : i32
    scf.for %scan3A_27 = %scan3A to %scan3A_19 step %scan3A_20  : i32 {
      %mul3A_28 = arith.constant 4 : i32
      %mul3A_29 = arith.muli %scan3A_27, %mul3A_28 : i32
      %add3A_30 = arith.constant 0 : i32
      %add3A_31 = arith.addi %add3A_30, %mul3A_29 : i32
      %dma_wait3A = arith.constant 0 : i32
      %dma_wait3A_32 = tpu.memref_slice %arg7[%add3A_31, %dma_wait3A] : memref<180x56xi32, #tpu.memory_space<vmem>> -> memref<1x56xi32, #tpu.memory_space<vmem>>
      %dma_wait3A_33 = tpu.memref_squeeze %dma_wait3A_32 : memref<1x56xi32, #tpu.memory_space<vmem>> -> memref<56xi32, #tpu.memory_space<vmem>>
      %dma_wait3A_34 = arith.constant 0 : i32
      %dma_wait3A_35 = arith.constant 0 : i32
      %dma_wait3A_36 = tpu.memref_slice %arg4[%dma_wait3A_34, %dma_wait3A_35] : memref<10000x48xf32, #tpu.memory_space<hbm>> -> memref<10000x48xf32, #tpu.memory_space<hbm>>
      tpu.wait_indirect_dma semaphore(%arg14 : memref<!tpu.dma_semaphore, #tpu.memory_space<semaphore_mem>>) src(%dma_wait3A_36 : memref<10000x48xf32, #tpu.memory_space<hbm>>) dst(%arg9 : memref<56x48xf32, #tpu.memory_space<vmem>>)
      %add3A_37 = arith.constant 1 : i32
      %add3A_38 = arith.addi %add3A_31, %add3A_37 : i32
      %dma_wait3A_39 = arith.constant 0 : i32
      %dma_wait3A_40 = tpu.memref_slice %arg7[%add3A_38, %dma_wait3A_39] : memref<180x56xi32, #tpu.memory_space<vmem>> -> memref<1x56xi32, #tpu.memory_space<vmem>>
      %dma_wait3A_41 = tpu.memref_squeeze %dma_wait3A_40 : memref<1x56xi32, #tpu.memory_space<vmem>> -> memref<56xi32, #tpu.memory_space<vmem>>
      %dma_wait3A_42 = arith.constant 0 : i32
      %dma_wait3A_43 = arith.constant 0 : i32
      %dma_wait3A_44 = tpu.memref_slice %arg4[%dma_wait3A_42, %dma_wait3A_43] : memref<10000x48xf32, #tpu.memory_space<hbm>> -> memref<10000x48xf32, #tpu.memory_space<hbm>>
      tpu.wait_indirect_dma semaphore(%arg15 : memref<!tpu.dma_semaphore, #tpu.memory_space<semaphore_mem>>) src(%dma_wait3A_44 : memref<10000x48xf32, #tpu.memory_space<hbm>>) dst(%arg10 : memref<56x48xf32, #tpu.memory_space<vmem>>)
      %dma_start3A_45 = arith.constant 0 : i32
      %dma_start3A_46 = tpu.memref_slice %arg8[%add3A_31, %dma_start3A_45] : memref<180x56xi32, #tpu.memory_space<vmem>> -> memref<1x56xi32, #tpu.memory_space<vmem>>
      %dma_start3A_47 = tpu.memref_squeeze %dma_start3A_46 : memref<1x56xi32, #tpu.memory_space<vmem>> -> memref<56xi32, #tpu.memory_space<vmem>>
      %dma_start3A_48 = arith.constant 0 : i32
      %dma_start3A_49 = arith.constant 0 : i32
      %dma_start3A_50 = tpu.memref_slice %arg13[%dma_start3A_48, %dma_start3A_49] : memref<10112x48xf32, #tpu.memory_space<vmem_shared>> -> memref<10112x48xf32, #tpu.memory_space<vmem_shared>>
      tpu.enqueue_indirect_dma source(%arg9 : memref<56x48xf32, #tpu.memory_space<vmem>>) target(%dma_start3A_50 : memref<10112x48xf32, #tpu.memory_space<vmem_shared>>) offsets(%dma_start3A_47 : memref<56xi32, #tpu.memory_space<vmem>>) semaphore(%arg18 : memref<!tpu.dma_semaphore, #tpu.memory_space<semaphore_mem>>) {add = true}
      %add3A_51 = arith.constant 1 : i32
      %add3A_52 = arith.addi %add3A_31, %add3A_51 : i32
      %dma_start3A_53 = arith.constant 0 : i32
      %dma_start3A_54 = tpu.memref_slice %arg8[%add3A_52, %dma_start3A_53] : memref<180x56xi32, #tpu.memory_space<vmem>> -> memref<1x56xi32, #tpu.memory_space<vmem>>
      %dma_start3A_55 = tpu.memref_squeeze %dma_start3A_54 : memref<1x56xi32, #tpu.memory_space<vmem>> -> memref<56xi32, #tpu.memory_space<vmem>>
      %dma_start3A_56 = arith.constant 0 : i32
      %dma_start3A_57 = arith.constant 0 : i32
      %dma_start3A_58 = tpu.memref_slice %arg13[%dma_start3A_56, %dma_start3A_57] : memref<10112x48xf32, #tpu.memory_space<vmem_shared>> -> memref<10112x48xf32, #tpu.memory_space<vmem_shared>>
      tpu.enqueue_indirect_dma source(%arg10 : memref<56x48xf32, #tpu.memory_space<vmem>>) target(%dma_start3A_58 : memref<10112x48xf32, #tpu.memory_space<vmem_shared>>) offsets(%dma_start3A_55 : memref<56xi32, #tpu.memory_space<vmem>>) semaphore(%arg19 : memref<!tpu.dma_semaphore, #tpu.memory_space<semaphore_mem>>) {add = true}
      %add3A_59 = arith.constant 2 : i32
      %add3A_60 = arith.addi %add3A_31, %add3A_59 : i32
      %dma_start3A_61 = arith.constant 0 : i32
      %dma_start3A_62 = tpu.memref_slice %arg7[%add3A_60, %dma_start3A_61] : memref<180x56xi32, #tpu.memory_space<vmem>> -> memref<1x56xi32, #tpu.memory_space<vmem>>
      %dma_start3A_63 = tpu.memref_squeeze %dma_start3A_62 : memref<1x56xi32, #tpu.memory_space<vmem>> -> memref<56xi32, #tpu.memory_space<vmem>>
      %dma_start3A_64 = arith.constant 0 : i32
      %dma_start3A_65 = arith.constant 0 : i32
      %dma_start3A_66 = tpu.memref_slice %arg4[%dma_start3A_64, %dma_start3A_65] : memref<10000x48xf32, #tpu.memory_space<hbm>> -> memref<10000x48xf32, #tpu.memory_space<hbm>>
      tpu.enqueue_indirect_dma source(%dma_start3A_66 : memref<10000x48xf32, #tpu.memory_space<hbm>>) target(%arg11 : memref<56x48xf32, #tpu.memory_space<vmem>>) offsets(%dma_start3A_63 : memref<56xi32, #tpu.memory_space<vmem>>) semaphore(%arg16 : memref<!tpu.dma_semaphore, #tpu.memory_space<semaphore_mem>>)
      %add3A_67 = arith.constant 3 : i32
      %add3A_68 = arith.addi %add3A_31, %add3A_67 : i32
      %dma_start3A_69 = arith.constant 0 : i32
      %dma_start3A_70 = tpu.memref_slice %arg7[%add3A_68, %dma_start3A_69] : memref<180x56xi32, #tpu.memory_space<vmem>> -> memref<1x56xi32, #tpu.memory_space<vmem>>
      %dma_start3A_71 = tpu.memref_squeeze %dma_start3A_70 : memref<1x56xi32, #tpu.memory_space<vmem>> -> memref<56xi32, #tpu.memory_space<vmem>>
      %dma_start3A_72 = arith.constant 0 : i32
      %dma_start3A_73 = arith.constant 0 : i32
      %dma_start3A_74 = tpu.memref_slice %arg4[%dma_start3A_72, %dma_start3A_73] : memref<10000x48xf32, #tpu.memory_space<hbm>> -> memref<10000x48xf32, #tpu.memory_space<hbm>>
      tpu.enqueue_indirect_dma source(%dma_start3A_74 : memref<10000x48xf32, #tpu.memory_space<hbm>>) target(%arg12 : memref<56x48xf32, #tpu.memory_space<vmem>>) offsets(%dma_start3A_71 : memref<56xi32, #tpu.memory_space<vmem>>) semaphore(%arg17 : memref<!tpu.dma_semaphore, #tpu.memory_space<semaphore_mem>>)
      %dma_wait3A_75 = arith.constant 0 : i32
      %dma_wait3A_76 = tpu.memref_slice %arg8[%add3A_31, %dma_wait3A_75] : memref<180x56xi32, #tpu.memory_space<vmem>> -> memref<1x56xi32, #tpu.memory_space<vmem>>
      %dma_wait3A_77 = tpu.memref_squeeze %dma_wait3A_76 : memref<1x56xi32, #tpu.memory_space<vmem>> -> memref<56xi32, #tpu.memory_space<vmem>>
      %dma_wait3A_78 = arith.constant 0 : i32
      %dma_wait3A_79 = arith.constant 0 : i32
      %dma_wait3A_80 = tpu.memref_slice %arg13[%dma_wait3A_78, %dma_wait3A_79] : memref<10112x48xf32, #tpu.memory_space<vmem_shared>> -> memref<10112x48xf32, #tpu.memory_space<vmem_shared>>
      tpu.wait_indirect_dma semaphore(%arg18 : memref<!tpu.dma_semaphore, #tpu.memory_space<semaphore_mem>>) src(%arg9 : memref<56x48xf32, #tpu.memory_space<vmem>>) dst(%dma_wait3A_80 : memref<10112x48xf32, #tpu.memory_space<vmem_shared>>)
      %add3A_81 = arith.constant 1 : i32
      %add3A_82 = arith.addi %add3A_31, %add3A_81 : i32
      %dma_wait3A_83 = arith.constant 0 : i32
      %dma_wait3A_84 = tpu.memref_slice %arg8[%add3A_82, %dma_wait3A_83] : memref<180x56xi32, #tpu.memory_space<vmem>> -> memref<1x56xi32, #tpu.memory_space<vmem>>
      %dma_wait3A_85 = tpu.memref_squeeze %dma_wait3A_84 : memref<1x56xi32, #tpu.memory_space<vmem>> -> memref<56xi32, #tpu.memory_space<vmem>>
      %dma_wait3A_86 = arith.constant 0 : i32
      %dma_wait3A_87 = arith.constant 0 : i32
      %dma_wait3A_88 = tpu.memref_slice %arg13[%dma_wait3A_86, %dma_wait3A_87] : memref<10112x48xf32, #tpu.memory_space<vmem_shared>> -> memref<10112x48xf32, #tpu.memory_space<vmem_shared>>
      tpu.wait_indirect_dma semaphore(%arg19 : memref<!tpu.dma_semaphore, #tpu.memory_space<semaphore_mem>>) src(%arg10 : memref<56x48xf32, #tpu.memory_space<vmem>>) dst(%dma_wait3A_88 : memref<10112x48xf32, #tpu.memory_space<vmem_shared>>)
      %add3A_89 = arith.constant 2 : i32
      %add3A_90 = arith.addi %add3A_31, %add3A_89 : i32
      %dma_wait3A_91 = arith.constant 0 : i32
      %dma_wait3A_92 = tpu.memref_slice %arg7[%add3A_90, %dma_wait3A_91] : memref<180x56xi32, #tpu.memory_space<vmem>> -> memref<1x56xi32, #tpu.memory_space<vmem>>
      %dma_wait3A_93 = tpu.memref_squeeze %dma_wait3A_92 : memref<1x56xi32, #tpu.memory_space<vmem>> -> memref<56xi32, #tpu.memory_space<vmem>>
      %dma_wait3A_94 = arith.constant 0 : i32
      %dma_wait3A_95 = arith.constant 0 : i32
      %dma_wait3A_96 = tpu.memref_slice %arg4[%dma_wait3A_94, %dma_wait3A_95] : memref<10000x48xf32, #tpu.memory_space<hbm>> -> memref<10000x48xf32, #tpu.memory_space<hbm>>
      tpu.wait_indirect_dma semaphore(%arg16 : memref<!tpu.dma_semaphore, #tpu.memory_space<semaphore_mem>>) src(%dma_wait3A_96 : memref<10000x48xf32, #tpu.memory_space<hbm>>) dst(%arg11 : memref<56x48xf32, #tpu.memory_space<vmem>>)
      %add3A_97 = arith.constant 3 : i32
      %add3A_98 = arith.addi %add3A_31, %add3A_97 : i32
      %dma_wait3A_99 = arith.constant 0 : i32
      %dma_wait3A_100 = tpu.memref_slice %arg7[%add3A_98, %dma_wait3A_99] : memref<180x56xi32, #tpu.memory_space<vmem>> -> memref<1x56xi32, #tpu.memory_space<vmem>>
      %dma_wait3A_101 = tpu.memref_squeeze %dma_wait3A_100 : memref<1x56xi32, #tpu.memory_space<vmem>> -> memref<56xi32, #tpu.memory_space<vmem>>
      %dma_wait3A_102 = arith.constant 0 : i32
      %dma_wait3A_103 = arith.constant 0 : i32
      %dma_wait3A_104 = tpu.memref_slice %arg4[%dma_wait3A_102, %dma_wait3A_103] : memref<10000x48xf32, #tpu.memory_space<hbm>> -> memref<10000x48xf32, #tpu.memory_space<hbm>>
      tpu.wait_indirect_dma semaphore(%arg17 : memref<!tpu.dma_semaphore, #tpu.memory_space<semaphore_mem>>) src(%dma_wait3A_104 : memref<10000x48xf32, #tpu.memory_space<hbm>>) dst(%arg12 : memref<56x48xf32, #tpu.memory_space<vmem>>)
      %add3A_105 = arith.constant 2 : i32
      %add3A_106 = arith.addi %add3A_31, %add3A_105 : i32
      %dma_start3A_107 = arith.constant 0 : i32
      %dma_start3A_108 = tpu.memref_slice %arg8[%add3A_106, %dma_start3A_107] : memref<180x56xi32, #tpu.memory_space<vmem>> -> memref<1x56xi32, #tpu.memory_space<vmem>>
      %dma_start3A_109 = tpu.memref_squeeze %dma_start3A_108 : memref<1x56xi32, #tpu.memory_space<vmem>> -> memref<56xi32, #tpu.memory_space<vmem>>
      %dma_start3A_110 = arith.constant 0 : i32
      %dma_start3A_111 = arith.constant 0 : i32
      %dma_start3A_112 = tpu.memref_slice %arg13[%dma_start3A_110, %dma_start3A_111] : memref<10112x48xf32, #tpu.memory_space<vmem_shared>> -> memref<10112x48xf32, #tpu.memory_space<vmem_shared>>
      tpu.enqueue_indirect_dma source(%arg11 : memref<56x48xf32, #tpu.memory_space<vmem>>) target(%dma_start3A_112 : memref<10112x48xf32, #tpu.memory_space<vmem_shared>>) offsets(%dma_start3A_109 : memref<56xi32, #tpu.memory_space<vmem>>) semaphore(%arg20 : memref<!tpu.dma_semaphore, #tpu.memory_space<semaphore_mem>>) {add = true}
      %add3A_113 = arith.constant 3 : i32
      %add3A_114 = arith.addi %add3A_31, %add3A_113 : i32
      %dma_start3A_115 = arith.constant 0 : i32
      %dma_start3A_116 = tpu.memref_slice %arg8[%add3A_114, %dma_start3A_115] : memref<180x56xi32, #tpu.memory_space<vmem>> -> memref<1x56xi32, #tpu.memory_space<vmem>>
      %dma_start3A_117 = tpu.memref_squeeze %dma_start3A_116 : memref<1x56xi32, #tpu.memory_space<vmem>> -> memref<56xi32, #tpu.memory_space<vmem>>
      %dma_start3A_118 = arith.constant 0 : i32
      %dma_start3A_119 = arith.constant 0 : i32
      %dma_start3A_120 = tpu.memref_slice %arg13[%dma_start3A_118, %dma_start3A_119] : memref<10112x48xf32, #tpu.memory_space<vmem_shared>> -> memref<10112x48xf32, #tpu.memory_space<vmem_shared>>
      tpu.enqueue_indirect_dma source(%arg12 : memref<56x48xf32, #tpu.memory_space<vmem>>) target(%dma_start3A_120 : memref<10112x48xf32, #tpu.memory_space<vmem_shared>>) offsets(%dma_start3A_117 : memref<56xi32, #tpu.memory_space<vmem>>) semaphore(%arg21 : memref<!tpu.dma_semaphore, #tpu.memory_space<semaphore_mem>>) {add = true}
      %add3A_121 = arith.constant 4 : i32
      %add3A_122 = arith.addi %add3A_31, %add3A_121 : i32
      %lt3A = arith.constant 180 : i32
      %lt3A_123 = arith.cmpi slt, %add3A_122, %lt3A : i32
      %convert_element_type3A = arith.extui %lt3A_123 : i1 to i32
      %cond3A = arith.constant 0 : i32
      %cond3A_124 = arith.cmpi ne, %convert_element_type3A, %cond3A : i32
      scf.if %cond3A_124 {
        %add3A_141 = arith.constant 4 : i32
        %add3A_142 = arith.addi %add3A_31, %add3A_141 : i32
        %dma_start3A_143 = arith.constant 0 : i32
        %dma_start3A_144 = tpu.memref_slice %arg7[%add3A_142, %dma_start3A_143] : memref<180x56xi32, #tpu.memory_space<vmem>> -> memref<1x56xi32, #tpu.memory_space<vmem>>
        %dma_start3A_145 = tpu.memref_squeeze %dma_start3A_144 : memref<1x56xi32, #tpu.memory_space<vmem>> -> memref<56xi32, #tpu.memory_space<vmem>>
        %dma_start3A_146 = arith.constant 0 : i32
        %dma_start3A_147 = arith.constant 0 : i32
        %dma_start3A_148 = tpu.memref_slice %arg4[%dma_start3A_146, %dma_start3A_147] : memref<10000x48xf32, #tpu.memory_space<hbm>> -> memref<10000x48xf32, #tpu.memory_space<hbm>>
        tpu.enqueue_indirect_dma source(%dma_start3A_148 : memref<10000x48xf32, #tpu.memory_space<hbm>>) target(%arg9 : memref<56x48xf32, #tpu.memory_space<vmem>>) offsets(%dma_start3A_145 : memref<56xi32, #tpu.memory_space<vmem>>) semaphore(%arg14 : memref<!tpu.dma_semaphore, #tpu.memory_space<semaphore_mem>>)
        %add3A_149 = arith.constant 5 : i32
        %add3A_150 = arith.addi %add3A_31, %add3A_149 : i32
        %dma_start3A_151 = arith.constant 0 : i32
        %dma_start3A_152 = tpu.memref_slice %arg7[%add3A_150, %dma_start3A_151] : memref<180x56xi32, #tpu.memory_space<vmem>> -> memref<1x56xi32, #tpu.memory_space<vmem>>
        %dma_start3A_153 = tpu.memref_squeeze %dma_start3A_152 : memref<1x56xi32, #tpu.memory_space<vmem>> -> memref<56xi32, #tpu.memory_space<vmem>>
        %dma_start3A_154 = arith.constant 0 : i32
        %dma_start3A_155 = arith.constant 0 : i32
        %dma_start3A_156 = tpu.memref_slice %arg4[%dma_start3A_154, %dma_start3A_155] : memref<10000x48xf32, #tpu.memory_space<hbm>> -> memref<10000x48xf32, #tpu.memory_space<hbm>>
        tpu.enqueue_indirect_dma source(%dma_start3A_156 : memref<10000x48xf32, #tpu.memory_space<hbm>>) target(%arg10 : memref<56x48xf32, #tpu.memory_space<vmem>>) offsets(%dma_start3A_153 : memref<56xi32, #tpu.memory_space<vmem>>) semaphore(%arg15 : memref<!tpu.dma_semaphore, #tpu.memory_space<semaphore_mem>>)
      } else {
      }
      %add3A_125 = arith.constant 2 : i32
      %add3A_126 = arith.addi %add3A_31, %add3A_125 : i32
      %dma_wait3A_127 = arith.constant 0 : i32
      %dma_wait3A_128 = tpu.memref_slice %arg8[%add3A_126, %dma_wait3A_127] : memref<180x56xi32, #tpu.memory_space<vmem>> -> memref<1x56xi32, #tpu.memory_space<vmem>>
      %dma_wait3A_129 = tpu.memref_squeeze %dma_wait3A_128 : memref<1x56xi32, #tpu.memory_space<vmem>> -> memref<56xi32, #tpu.memory_space<vmem>>
      %dma_wait3A_130 = arith.constant 0 : i32
      %dma_wait3A_131 = arith.constant 0 : i32
      %dma_wait3A_132 = tpu.memref_slice %arg13[%dma_wait3A_130, %dma_wait3A_131] : memref<10112x48xf32, #tpu.memory_space<vmem_shared>> -> memref<10112x48xf32, #tpu.memory_space<vmem_shared>>
      tpu.wait_indirect_dma semaphore(%arg20 : memref<!tpu.dma_semaphore, #tpu.memory_space<semaphore_mem>>) src(%arg11 : memref<56x48xf32, #tpu.memory_space<vmem>>) dst(%dma_wait3A_132 : memref<10112x48xf32, #tpu.memory_space<vmem_shared>>)
      %add3A_133 = arith.constant 3 : i32
      %add3A_134 = arith.addi %add3A_31, %add3A_133 : i32
      %dma_wait3A_135 = arith.constant 0 : i32
      %dma_wait3A_136 = tpu.memref_slice %arg8[%add3A_134, %dma_wait3A_135] : memref<180x56xi32, #tpu.memory_space<vmem>> -> memref<1x56xi32, #tpu.memory_space<vmem>>
      %dma_wait3A_137 = tpu.memref_squeeze %dma_wait3A_136 : memref<1x56xi32, #tpu.memory_space<vmem>> -> memref<56xi32, #tpu.memory_space<vmem>>
      %dma_wait3A_138 = arith.constant 0 : i32
      %dma_wait3A_139 = arith.constant 0 : i32
      %dma_wait3A_140 = tpu.memref_slice %arg13[%dma_wait3A_138, %dma_wait3A_139] : memref<10112x48xf32, #tpu.memory_space<vmem_shared>> -> memref<10112x48xf32, #tpu.memory_space<vmem_shared>>
      tpu.wait_indirect_dma semaphore(%arg21 : memref<!tpu.dma_semaphore, #tpu.memory_space<semaphore_mem>>) src(%arg12 : memref<56x48xf32, #tpu.memory_space<vmem>>) dst(%dma_wait3A_140 : memref<10112x48xf32, #tpu.memory_space<vmem_shared>>)
    }
    %scan3A_21 = arith.constant 45 : i32
    %barrier3A_22 = arith.constant 0 : index
    tpu.barrier barrier_id(%barrier3A_22)
    %mul3A_23 = arith.constant 632 : i32
    %mul3A_24 = arith.muli %arg1, %mul3A_23 : i32
    %mul3A_25 = arith.constant 632 : i32
    %mul3A_26 = arith.muli %arg1, %mul3A_25 : i32
    "tpu.region"() ({
      %run_scoped3A = tpu.sem_alloc : memref<!tpu.dma_semaphore, #tpu.memory_space<semaphore_mem>>
      %dma_start3A_27 = arith.constant 0 : i32
      %dma_start3A_28 = tpu.memref_slice %arg6[%arg0, %mul3A_26, %dma_start3A_27] : memref<2x10112x48xf32, #tpu.memory_space<hbm>> -> memref<1x632x48xf32, #tpu.memory_space<hbm>>
      %dma_start3A_29 = tpu.memref_squeeze %dma_start3A_28 : memref<1x632x48xf32, #tpu.memory_space<hbm>> -> memref<632x48xf32, #tpu.memory_space<hbm>>
      %dma_start3A_30 = arith.constant 0 : i32
      %dma_start3A_31 = tpu.memref_slice %arg13[%mul3A_24, %dma_start3A_30] : memref<10112x48xf32, #tpu.memory_space<vmem_shared>> -> memref<632x48xf32, #tpu.memory_space<vmem_shared>>
      tpu.enqueue_dma source(%dma_start3A_31 : memref<632x48xf32, #tpu.memory_space<vmem_shared>>) target(%dma_start3A_29 : memref<632x48xf32, #tpu.memory_space<hbm>>) target_semaphore(%run_scoped3A : memref<!tpu.dma_semaphore, #tpu.memory_space<semaphore_mem>>)
      %dma_wait3A = arith.constant 0 : i32
      %dma_wait3A_32 = tpu.memref_slice %arg6[%arg0, %mul3A_26, %dma_wait3A] : memref<2x10112x48xf32, #tpu.memory_space<hbm>> -> memref<1x632x48xf32, #tpu.memory_space<hbm>>
      %dma_wait3A_33 = tpu.memref_squeeze %dma_wait3A_32 : memref<1x632x48xf32, #tpu.memory_space<hbm>> -> memref<632x48xf32, #tpu.memory_space<hbm>>
      %dma_wait3A_34 = arith.constant 0 : i32
      %dma_wait3A_35 = tpu.memref_slice %arg13[%mul3A_24, %dma_wait3A_34] : memref<10112x48xf32, #tpu.memory_space<vmem_shared>> -> memref<632x48xf32, #tpu.memory_space<vmem_shared>>
      tpu.wait_dma2 semaphore(%run_scoped3A : memref<!tpu.dma_semaphore, #tpu.memory_space<semaphore_mem>>) src(%dma_wait3A_35 : memref<632x48xf32, #tpu.memory_space<vmem_shared>>) dst(%dma_wait3A_33 : memref<632x48xf32, #tpu.memory_space<hbm>>)
      tpu.yield
    }) : () -> ()
    return
  }
}

#map = affine_map<(d0, d1) -> (0, 0, 0)>
#map1 = affine_map<(d0, d1) -> (0, 0)>
module attributes {stable_mosaic.version = 14 : i64} {
  func.func @k(%arg0: i32, %arg1: i32, %arg2: memref<32x180x56xi32, #tpu.memory_space<hbm>>, %arg3: memref<56x16xf32, #tpu.memory_space<hbm>>, %arg4: memref<10112x16xf32, #tpu.memory_space<hbm>>, %arg5: memref<2x10112x16xf32, #tpu.memory_space<hbm>>, %arg6: memref<180x56xi32, #tpu.memory_space<vmem>>, %arg7: memref<56x16xf32, #tpu.memory_space<vmem>>, %arg8: memref<10112x16xf32, #tpu.memory_space<vmem_shared>>, %arg9: memref<!tpu.dma_semaphore, #tpu.memory_space<semaphore_mem>>) attributes {dimension_semantics = [#tpu.dimension_semantics<core_parallel>, #tpu.dimension_semantics<subcore_parallel>], iteration_bounds = array<i64: 2, 16>, scalar_prefetch = 0 : i64, scratch_operands = 4 : i64, tpu.core_type = #tpu.core_type<sc_vector_subcore>, window_params = [{transform_indices = #map}, {transform_indices = #map1}, {transform_indices = #map1}, {transform_indices = #map}]} {
    %mul3A = arith.constant 16 : i32
    %mul3A_0 = arith.muli %arg0, %mul3A : i32
    %add3A = arith.addi %mul3A_0, %arg1 : i32
    %mul3A_1 = arith.constant 632 : i32
    %mul3A_2 = arith.muli %arg1, %mul3A_1 : i32
    %mul3A_3 = arith.constant 632 : i32
    %mul3A_4 = arith.muli %arg1, %mul3A_3 : i32
    "tpu.region"() ({
      %run_scoped3A = tpu.sem_alloc : memref<!tpu.dma_semaphore, #tpu.memory_space<semaphore_mem>>
      %dma_start3A = arith.constant 0 : i32
      %dma_start3A_19 = tpu.memref_slice %arg8[%mul3A_4, %dma_start3A] : memref<10112x16xf32, #tpu.memory_space<vmem_shared>> -> memref<632x16xf32, #tpu.memory_space<vmem_shared>>
      %dma_start3A_20 = arith.constant 0 : i32
      %dma_start3A_21 = tpu.memref_slice %arg4[%mul3A_2, %dma_start3A_20] : memref<10112x16xf32, #tpu.memory_space<hbm>> -> memref<632x16xf32, #tpu.memory_space<hbm>>
      tpu.enqueue_dma source(%dma_start3A_21 : memref<632x16xf32, #tpu.memory_space<hbm>>) target(%dma_start3A_19 : memref<632x16xf32, #tpu.memory_space<vmem_shared>>) target_semaphore(%run_scoped3A : memref<!tpu.dma_semaphore, #tpu.memory_space<semaphore_mem>>)
      %dma_wait3A = arith.constant 0 : i32
      %dma_wait3A_22 = tpu.memref_slice %arg8[%mul3A_4, %dma_wait3A] : memref<10112x16xf32, #tpu.memory_space<vmem_shared>> -> memref<632x16xf32, #tpu.memory_space<vmem_shared>>
      %dma_wait3A_23 = arith.constant 0 : i32
      %dma_wait3A_24 = tpu.memref_slice %arg4[%mul3A_2, %dma_wait3A_23] : memref<10112x16xf32, #tpu.memory_space<hbm>> -> memref<632x16xf32, #tpu.memory_space<hbm>>
      tpu.wait_dma2 semaphore(%run_scoped3A : memref<!tpu.dma_semaphore, #tpu.memory_space<semaphore_mem>>) src(%dma_wait3A_24 : memref<632x16xf32, #tpu.memory_space<hbm>>) dst(%dma_wait3A_22 : memref<632x16xf32, #tpu.memory_space<vmem_shared>>)
      tpu.yield
    }) : () -> ()
    "tpu.region"() ({
      %run_scoped3A = tpu.sem_alloc : memref<!tpu.dma_semaphore, #tpu.memory_space<semaphore_mem>>
      %dma_start3A = arith.constant 0 : i32
      %dma_start3A_19 = arith.constant 0 : i32
      %dma_start3A_20 = tpu.memref_slice %arg2[%add3A, %dma_start3A, %dma_start3A_19] : memref<32x180x56xi32, #tpu.memory_space<hbm>> -> memref<1x180x56xi32, #tpu.memory_space<hbm>>
      %dma_start3A_21 = tpu.memref_squeeze %dma_start3A_20 : memref<1x180x56xi32, #tpu.memory_space<hbm>> -> memref<180x56xi32, #tpu.memory_space<hbm>>
      %dma_start3A_22 = arith.constant 0 : i32
      %dma_start3A_23 = arith.constant 0 : i32
      %dma_start3A_24 = tpu.memref_slice %arg2[%add3A, %dma_start3A_22, %dma_start3A_23] : memref<32x180x56xi32, #tpu.memory_space<hbm>> -> memref<1x180x56xi32, #tpu.memory_space<hbm>>
      %dma_start3A_25 = tpu.memref_squeeze %dma_start3A_24 : memref<1x180x56xi32, #tpu.memory_space<hbm>> -> memref<180x56xi32, #tpu.memory_space<hbm>>
      tpu.enqueue_dma source(%dma_start3A_25 : memref<180x56xi32, #tpu.memory_space<hbm>>) target(%arg6 : memref<180x56xi32, #tpu.memory_space<vmem>>) target_semaphore(%run_scoped3A : memref<!tpu.dma_semaphore, #tpu.memory_space<semaphore_mem>>)
      %dma_wait3A = arith.constant 0 : i32
      %dma_wait3A_26 = arith.constant 0 : i32
      %dma_wait3A_27 = tpu.memref_slice %arg2[%add3A, %dma_wait3A, %dma_wait3A_26] : memref<32x180x56xi32, #tpu.memory_space<hbm>> -> memref<1x180x56xi32, #tpu.memory_space<hbm>>
      %dma_wait3A_28 = tpu.memref_squeeze %dma_wait3A_27 : memref<1x180x56xi32, #tpu.memory_space<hbm>> -> memref<180x56xi32, #tpu.memory_space<hbm>>
      %dma_wait3A_29 = arith.constant 0 : i32
      %dma_wait3A_30 = arith.constant 0 : i32
      %dma_wait3A_31 = tpu.memref_slice %arg2[%add3A, %dma_wait3A_29, %dma_wait3A_30] : memref<32x180x56xi32, #tpu.memory_space<hbm>> -> memref<1x180x56xi32, #tpu.memory_space<hbm>>
      %dma_wait3A_32 = tpu.memref_squeeze %dma_wait3A_31 : memref<1x180x56xi32, #tpu.memory_space<hbm>> -> memref<180x56xi32, #tpu.memory_space<hbm>>
      tpu.wait_dma2 semaphore(%run_scoped3A : memref<!tpu.dma_semaphore, #tpu.memory_space<semaphore_mem>>) src(%dma_wait3A_32 : memref<180x56xi32, #tpu.memory_space<hbm>>) dst(%arg6 : memref<180x56xi32, #tpu.memory_space<vmem>>)
      tpu.yield
    }) : () -> ()
    "tpu.region"() ({
      %run_scoped3A = tpu.sem_alloc : memref<!tpu.dma_semaphore, #tpu.memory_space<semaphore_mem>>
      tpu.enqueue_dma source(%arg3 : memref<56x16xf32, #tpu.memory_space<hbm>>) target(%arg7 : memref<56x16xf32, #tpu.memory_space<vmem>>) target_semaphore(%run_scoped3A : memref<!tpu.dma_semaphore, #tpu.memory_space<semaphore_mem>>)
      tpu.wait_dma2 semaphore(%run_scoped3A : memref<!tpu.dma_semaphore, #tpu.memory_space<semaphore_mem>>) src(%arg3 : memref<56x16xf32, #tpu.memory_space<hbm>>) dst(%arg7 : memref<56x16xf32, #tpu.memory_space<vmem>>)
      tpu.yield
    }) : () -> ()
    %barrier3A = arith.constant 0 : index
    tpu.barrier barrier_id(%barrier3A)
    %scan3A = arith.constant 0 : i32
    %scan3A_5 = arith.constant 180 : i32
    %scan3A_6 = arith.addi %scan3A, %scan3A_5 : i32
    %scan3A_7 = arith.constant 1 : i32
    scf.for %scan3A_19 = %scan3A to %scan3A_6 step %scan3A_7  : i32 {
      %mul3A_20 = arith.constant 1 : i32
      %mul3A_21 = arith.muli %scan3A_19, %mul3A_20 : i32
      %add3A_22 = arith.constant 0 : i32
      %add3A_23 = arith.addi %add3A_22, %mul3A_21 : i32
      %dma_start3A = arith.constant 0 : i32
      %dma_start3A_24 = tpu.memref_slice %arg6[%add3A_23, %dma_start3A] : memref<180x56xi32, #tpu.memory_space<vmem>> -> memref<1x56xi32, #tpu.memory_space<vmem>>
      %dma_start3A_25 = tpu.memref_squeeze %dma_start3A_24 : memref<1x56xi32, #tpu.memory_space<vmem>> -> memref<56xi32, #tpu.memory_space<vmem>>
      %dma_start3A_26 = arith.constant 0 : i32
      %dma_start3A_27 = arith.constant 0 : i32
      %dma_start3A_28 = tpu.memref_slice %arg8[%dma_start3A_26, %dma_start3A_27] : memref<10112x16xf32, #tpu.memory_space<vmem_shared>> -> memref<10112x16xf32, #tpu.memory_space<vmem_shared>>
      tpu.enqueue_indirect_dma source(%arg7 : memref<56x16xf32, #tpu.memory_space<vmem>>) target(%dma_start3A_28 : memref<10112x16xf32, #tpu.memory_space<vmem_shared>>) offsets(%dma_start3A_25 : memref<56xi32, #tpu.memory_space<vmem>>) semaphore(%arg9 : memref<!tpu.dma_semaphore, #tpu.memory_space<semaphore_mem>>) {add = true}
    }
    %scan3A_8 = arith.constant 180 : i32
    %scan3A_9 = arith.constant 0 : i32
    %scan3A_10 = arith.constant 180 : i32
    %scan3A_11 = arith.addi %scan3A_9, %scan3A_10 : i32
    %scan3A_12 = arith.constant 1 : i32
    scf.for %scan3A_19 = %scan3A_9 to %scan3A_11 step %scan3A_12  : i32 {
      %mul3A_20 = arith.constant 1 : i32
      %mul3A_21 = arith.muli %scan3A_19, %mul3A_20 : i32
      %add3A_22 = arith.constant 0 : i32
      %add3A_23 = arith.addi %add3A_22, %mul3A_21 : i32
      %dma_wait3A = arith.constant 0 : i32
      %dma_wait3A_24 = tpu.memref_slice %arg6[%add3A_23, %dma_wait3A] : memref<180x56xi32, #tpu.memory_space<vmem>> -> memref<1x56xi32, #tpu.memory_space<vmem>>
      %dma_wait3A_25 = tpu.memref_squeeze %dma_wait3A_24 : memref<1x56xi32, #tpu.memory_space<vmem>> -> memref<56xi32, #tpu.memory_space<vmem>>
      %dma_wait3A_26 = arith.constant 0 : i32
      %dma_wait3A_27 = arith.constant 0 : i32
      %dma_wait3A_28 = tpu.memref_slice %arg8[%dma_wait3A_26, %dma_wait3A_27] : memref<10112x16xf32, #tpu.memory_space<vmem_shared>> -> memref<10112x16xf32, #tpu.memory_space<vmem_shared>>
      tpu.wait_indirect_dma semaphore(%arg9 : memref<!tpu.dma_semaphore, #tpu.memory_space<semaphore_mem>>) src(%arg7 : memref<56x16xf32, #tpu.memory_space<vmem>>) dst(%dma_wait3A_28 : memref<10112x16xf32, #tpu.memory_space<vmem_shared>>)
    }
    %scan3A_13 = arith.constant 180 : i32
    %barrier3A_14 = arith.constant 0 : index
    tpu.barrier barrier_id(%barrier3A_14)
    %mul3A_15 = arith.constant 632 : i32
    %mul3A_16 = arith.muli %arg1, %mul3A_15 : i32
    %mul3A_17 = arith.constant 632 : i32
    %mul3A_18 = arith.muli %arg1, %mul3A_17 : i32
    "tpu.region"() ({
      %run_scoped3A = tpu.sem_alloc : memref<!tpu.dma_semaphore, #tpu.memory_space<semaphore_mem>>
      %dma_start3A = arith.constant 0 : i32
      %dma_start3A_19 = tpu.memref_slice %arg5[%arg0, %mul3A_18, %dma_start3A] : memref<2x10112x16xf32, #tpu.memory_space<hbm>> -> memref<1x632x16xf32, #tpu.memory_space<hbm>>
      %dma_start3A_20 = tpu.memref_squeeze %dma_start3A_19 : memref<1x632x16xf32, #tpu.memory_space<hbm>> -> memref<632x16xf32, #tpu.memory_space<hbm>>
      %dma_start3A_21 = arith.constant 0 : i32
      %dma_start3A_22 = tpu.memref_slice %arg8[%mul3A_16, %dma_start3A_21] : memref<10112x16xf32, #tpu.memory_space<vmem_shared>> -> memref<632x16xf32, #tpu.memory_space<vmem_shared>>
      tpu.enqueue_dma source(%dma_start3A_22 : memref<632x16xf32, #tpu.memory_space<vmem_shared>>) target(%dma_start3A_20 : memref<632x16xf32, #tpu.memory_space<hbm>>) target_semaphore(%run_scoped3A : memref<!tpu.dma_semaphore, #tpu.memory_space<semaphore_mem>>)
      %dma_wait3A = arith.constant 0 : i32
      %dma_wait3A_23 = tpu.memref_slice %arg5[%arg0, %mul3A_18, %dma_wait3A] : memref<2x10112x16xf32, #tpu.memory_space<hbm>> -> memref<1x632x16xf32, #tpu.memory_space<hbm>>
      %dma_wait3A_24 = tpu.memref_squeeze %dma_wait3A_23 : memref<1x632x16xf32, #tpu.memory_space<hbm>> -> memref<632x16xf32, #tpu.memory_space<hbm>>
      %dma_wait3A_25 = arith.constant 0 : i32
      %dma_wait3A_26 = tpu.memref_slice %arg8[%mul3A_16, %dma_wait3A_25] : memref<10112x16xf32, #tpu.memory_space<vmem_shared>> -> memref<632x16xf32, #tpu.memory_space<vmem_shared>>
      tpu.wait_dma2 semaphore(%run_scoped3A : memref<!tpu.dma_semaphore, #tpu.memory_space<semaphore_mem>>) src(%dma_wait3A_26 : memref<632x16xf32, #tpu.memory_space<vmem_shared>>) dst(%dma_wait3A_24 : memref<632x16xf32, #tpu.memory_space<hbm>>)
      tpu.yield
    }) : () -> ()
    return
  }
}

module attributes {stable_mosaic.version = 14 : i64} {
  func.func @body(%arg0: i32, %arg1: memref<1000x128xf32, #tpu.memory_space<vmem>>, %arg2: memref<128x128xf32, #tpu.memory_space<vmem>>, %arg3: memref<1x1000x16xf32, #tpu.memory_space<vmem>>, %arg4: memref<1x1000x16xf32, #tpu.memory_space<vmem>>, %arg5: memref<1000x128xf32, #tpu.memory_space<vmem>>, %arg6: memref<1000x16xf32, #tpu.memory_space<vmem>>) attributes {dimension_semantics = [#tpu.dimension_semantics<arbitrary>], iteration_bounds = array<i64: 10>, scalar_prefetch = 0 : i64, scratch_operands = 0 : i64, tpu.core_type = #tpu.core_type<tc>, window_params = [{transform_indices = @transform_0, window_bounds = array<i64: 1000, 128>}, {pipeline_mode = #tpu.pipeline_mode<synchronous>, transform_indices = @transform_1, window_bounds = array<i64: 128, 128>}, {transform_indices = @transform_2, window_bounds = array<i64: 1, 1000, 16>}, {transform_indices = @transform_3, window_bounds = array<i64: 1, 1000, 16>}, {transform_indices = @transform_4, window_bounds = array<i64: 1000, 128>}, {transform_indices = @transform_5, window_bounds = array<i64: 1000, 16>}]} {
    %get3A = arith.constant 0 : index
    %get3A_0 = arith.constant 0 : index
    %get3A_1 = arith.constant 0 : index
    %get3A_2 = vector.load %arg3[%get3A, %get3A_0, %get3A_1] : memref<1x1000x16xf32, #tpu.memory_space<vmem>>, vector<1x1000x1xf32>
    %get3A_3 = vector.shape_cast %get3A_2 : vector<1x1000x1xf32> to vector<1000x1xf32>
    %get3A_4 = arith.constant 0 : index
    %get3A_5 = arith.constant 0 : index
    %get3A_6 = arith.constant 0 : index
    %get3A_7 = vector.load %arg4[%get3A_4, %get3A_5, %get3A_6] : memref<1x1000x16xf32, #tpu.memory_space<vmem>>, vector<1x1000x1xf32>
    %get3A_8 = vector.shape_cast %get3A_7 : vector<1x1000x1xf32> to vector<1000x1xf32>
    %add3A = arith.addf %get3A_3, %get3A_8 : vector<1000x1xf32>
    %add3A_9 = arith.constant 1.000000e+00 : f32
    %add3A_10 = vector.broadcast %add3A_9 : f32 to vector<1000x1xf32>
    %add3A_11 = arith.addf %add3A, %add3A_10 : vector<1000x1xf32>
    %rsqrt3A = math.rsqrt %add3A_11 : vector<1000x1xf32>
    %get3A_12 = arith.constant 0 : index
    %get3A_13 = arith.constant 0 : index
    %get3A_14 = vector.load %arg1[%get3A_12, %get3A_13] : memref<1000x128xf32, #tpu.memory_space<vmem>>, vector<1000x128xf32>
    %get3A_15 = arith.constant 0 : index
    %get3A_16 = arith.constant 0 : index
    %get3A_17 = vector.load %arg2[%get3A_15, %get3A_16] : memref<128x128xf32, #tpu.memory_space<vmem>>, vector<128x128xf32>
    %dot_general3A = arith.constant dense<0.000000e+00> : vector<1000x128xf32>
    %dot_general3A_18 = tpu.matmul %get3A_14, %get3A_17, %dot_general3A {dimension_numbers = #tpu.dot_dimension_numbers<[1], [0], [0], [1], [0, 0, 1, 1], [], []>, transpose_lhs_hint = false} : vector<1000x128xf32>, vector<128x128xf32>, vector<1000x128xf32> -> vector<1000x128xf32>
    %mul3A = vector.broadcast %rsqrt3A : vector<1000x1xf32> to vector<1000x128xf32>
    %mul3A_19 = arith.mulf %dot_general3A_18, %mul3A : vector<1000x128xf32>
    %swap3A = arith.constant 0 : index
    %swap3A_20 = arith.constant 0 : index
    %swap3A_21 = vector.load %arg5[%swap3A, %swap3A_20] : memref<1000x128xf32, #tpu.memory_space<vmem>>, vector<1000x128xf32>
    tpu.vector_store %arg5[%swap3A, %swap3A_20], %mul3A_19 {strides = array<i32>} : memref<1000x128xf32, #tpu.memory_space<vmem>>, vector<1000x128xf32>,
    %broadcast_in_dim3A = vector.shape_cast %rsqrt3A : vector<1000x1xf32> to vector<1000x1xf32>
    %broadcast_in_dim3A_22 = vector.broadcast %broadcast_in_dim3A : vector<1000x1xf32> to vector<1000x16xf32>
    %swap3A_23 = arith.constant 0 : index
    %swap3A_24 = arith.constant 0 : index
    %swap3A_25 = vector.load %arg6[%swap3A_23, %swap3A_24] : memref<1000x16xf32, #tpu.memory_space<vmem>>, vector<1000x16xf32>
    tpu.vector_store %arg6[%swap3A_23, %swap3A_24], %broadcast_in_dim3A_22 {strides = array<i32>} : memref<1000x16xf32, #tpu.memory_space<vmem>>, vector<1000x16xf32>,
    return
  }
  func.func @transform_0(%arg0: i32) -> (i32, i32) {
    %c0_i32 = arith.constant 0 : i32
    %c0_i32_0 = arith.constant 0 : i32
    return %arg0, %c0_i32 : i32, i32
  }
  func.func @transform_1(%arg0: i32) -> (i32, i32) {
    %c0_i32 = arith.constant 0 : i32
    %c0_i32_0 = arith.constant 0 : i32
    %c0_i32_1 = arith.constant 0 : i32
    return %c0_i32, %c0_i32_0 : i32, i32
  }
  func.func @transform_2(%arg0: i32) -> (i32, i32, i32) {
    %c0_i32 = arith.constant 0 : i32
    %c0_i32_0 = arith.constant 0 : i32
    %c0_i32_1 = arith.constant 0 : i32
    return %c0_i32, %arg0, %c0_i32_0 : i32, i32, i32
  }
  func.func @transform_3(%arg0: i32) -> (i32, i32, i32) {
    %c1_i32 = arith.constant 1 : i32
    %c0_i32 = arith.constant 0 : i32
    %c0_i32_0 = arith.constant 0 : i32
    return %c1_i32, %arg0, %c0_i32 : i32, i32, i32
  }
  func.func @transform_4(%arg0: i32) -> (i32, i32) {
    %c0_i32 = arith.constant 0 : i32
    %c0_i32_0 = arith.constant 0 : i32
    return %arg0, %c0_i32 : i32, i32
  }
  func.func @transform_5(%arg0: i32) -> (i32, i32) {
    %c0_i32 = arith.constant 0 : i32
    %c0_i32_0 = arith.constant 0 : i32
    return %arg0, %c0_i32 : i32, i32
  }
}

module attributes {stable_mosaic.version = 14 : i64} {
  func.func @body(%arg0: i32, %arg1: memref<1x1000x128xf32, #tpu.memory_space<vmem>>, %arg2: memref<1x1000x128xf32, #tpu.memory_space<vmem>>, %arg3: memref<1000x128xf32, #tpu.memory_space<vmem>>, %arg4: memref<1000x16xf32, #tpu.memory_space<vmem>>, %arg5: memref<1x128xf32, #tpu.memory_space<vmem>>, %arg6: memref<128x48xf32, #tpu.memory_space<vmem>>, %arg7: memref<1000x48xf32, #tpu.memory_space<vmem>>) attributes {dimension_semantics = [#tpu.dimension_semantics<arbitrary>], iteration_bounds = array<i64: 10>, scalar_prefetch = 0 : i64, scratch_operands = 0 : i64, tpu.core_type = #tpu.core_type<tc>, window_params = [{transform_indices = @transform_0, window_bounds = array<i64: 1, 1000, 128>}, {transform_indices = @transform_1, window_bounds = array<i64: 1, 1000, 128>}, {transform_indices = @transform_2, window_bounds = array<i64: 1000, 128>}, {transform_indices = @transform_3, window_bounds = array<i64: 1000, 16>}, {pipeline_mode = #tpu.pipeline_mode<synchronous>, transform_indices = @transform_4, window_bounds = array<i64: 1, 128>}, {pipeline_mode = #tpu.pipeline_mode<synchronous>, transform_indices = @transform_5, window_bounds = array<i64: 128, 48>}, {transform_indices = @transform_6, window_bounds = array<i64: 1000, 48>}]} {
    %get3A = arith.constant 0 : index
    %get3A_0 = arith.constant 0 : index
    %get3A_1 = vector.load %arg4[%get3A, %get3A_0] : memref<1000x16xf32, #tpu.memory_space<vmem>>, vector<1000x1xf32>
    %get3A_2 = arith.constant 0 : index
    %get3A_3 = arith.constant 0 : index
    %get3A_4 = arith.constant 0 : index
    %get3A_5 = vector.load %arg1[%get3A_2, %get3A_3, %get3A_4] : memref<1x1000x128xf32, #tpu.memory_space<vmem>>, vector<1x1000x128xf32>
    %get3A_6 = vector.shape_cast %get3A_5 : vector<1x1000x128xf32> to vector<1000x128xf32>
    %get3A_7 = arith.constant 0 : index
    %get3A_8 = arith.constant 0 : index
    %get3A_9 = arith.constant 0 : index
    %get3A_10 = vector.load %arg2[%get3A_7, %get3A_8, %get3A_9] : memref<1x1000x128xf32, #tpu.memory_space<vmem>>, vector<1x1000x128xf32>
    %get3A_11 = vector.shape_cast %get3A_10 : vector<1x1000x128xf32> to vector<1000x128xf32>
    %add3A = arith.addf %get3A_6, %get3A_11 : vector<1000x128xf32>
    %get3A_12 = arith.constant 0 : index
    %get3A_13 = arith.constant 0 : index
    %get3A_14 = vector.load %arg3[%get3A_12, %get3A_13] : memref<1000x128xf32, #tpu.memory_space<vmem>>, vector<1000x128xf32>
    %add3A_15 = arith.addf %add3A, %get3A_14 : vector<1000x128xf32>
    %mul3A = vector.broadcast %get3A_1 : vector<1000x1xf32> to vector<1000x128xf32>
    %mul3A_16 = arith.mulf %add3A_15, %mul3A : vector<1000x128xf32>
    %get3A_17 = arith.constant 0 : index
    %get3A_18 = arith.constant 0 : index
    %get3A_19 = vector.load %arg5[%get3A_17, %get3A_18] : memref<1x128xf32, #tpu.memory_space<vmem>>, vector<1x128xf32>
    %add3A_20 = vector.broadcast %get3A_19 : vector<1x128xf32> to vector<1000x128xf32>
    %add3A_21 = arith.addf %mul3A_16, %add3A_20 : vector<1000x128xf32>
    %max3A = arith.constant 0.000000e+00 : f32
    %max3A_22 = vector.broadcast %max3A : f32 to vector<1000x128xf32>
    %max3A_23 = arith.maximumf %add3A_21, %max3A_22 : vector<1000x128xf32>
    %get3A_24 = arith.constant 0 : index
    %get3A_25 = arith.constant 0 : index
    %get3A_26 = vector.load %arg6[%get3A_24, %get3A_25] : memref<128x48xf32, #tpu.memory_space<vmem>>, vector<128x48xf32>
    %dot_general3A = arith.constant dense<0.000000e+00> : vector<1000x48xf32>
    %dot_general3A_27 = tpu.matmul %max3A_23, %get3A_26, %dot_general3A {dimension_numbers = #tpu.dot_dimension_numbers<[1], [0], [0], [1], [0, 0, 1, 1], [], []>, transpose_lhs_hint = false} : vector<1000x128xf32>, vector<128x48xf32>, vector<1000x48xf32> -> vector<1000x48xf32>
    %mul3A_28 = vector.broadcast %get3A_1 : vector<1000x1xf32> to vector<1000x48xf32>
    %mul3A_29 = arith.mulf %dot_general3A_27, %mul3A_28 : vector<1000x48xf32>
    %swap3A = arith.constant 0 : index
    %swap3A_30 = arith.constant 0 : index
    %swap3A_31 = vector.load %arg7[%swap3A, %swap3A_30] : memref<1000x48xf32, #tpu.memory_space<vmem>>, vector<1000x48xf32>
    tpu.vector_store %arg7[%swap3A, %swap3A_30], %mul3A_29 {strides = array<i32>} : memref<1000x48xf32, #tpu.memory_space<vmem>>, vector<1000x48xf32>,
    return
  }
  func.func @transform_0(%arg0: i32) -> (i32, i32, i32) {
    %c0_i32 = arith.constant 0 : i32
    %c0_i32_0 = arith.constant 0 : i32
    %c0_i32_1 = arith.constant 0 : i32
    return %c0_i32, %arg0, %c0_i32_0 : i32, i32, i32
  }
  func.func @transform_1(%arg0: i32) -> (i32, i32, i32) {
    %c1_i32 = arith.constant 1 : i32
    %c0_i32 = arith.constant 0 : i32
    %c0_i32_0 = arith.constant 0 : i32
    return %c1_i32, %arg0, %c0_i32 : i32, i32, i32
  }
  func.func @transform_2(%arg0: i32) -> (i32, i32) {
    %c0_i32 = arith.constant 0 : i32
    %c0_i32_0 = arith.constant 0 : i32
    return %arg0, %c0_i32 : i32, i32
  }
  func.func @transform_3(%arg0: i32) -> (i32, i32) {
    %c0_i32 = arith.constant 0 : i32
    %c0_i32_0 = arith.constant 0 : i32
    return %arg0, %c0_i32 : i32, i32
  }
  func.func @transform_4(%arg0: i32) -> (i32, i32) {
    %c0_i32 = arith.constant 0 : i32
    %c0_i32_0 = arith.constant 0 : i32
    %c0_i32_1 = arith.constant 0 : i32
    return %c0_i32, %c0_i32_0 : i32, i32
  }
  func.func @transform_5(%arg0: i32) -> (i32, i32) {
    %c0_i32 = arith.constant 0 : i32
    %c0_i32_0 = arith.constant 0 : i32
    %c0_i32_1 = arith.constant 0 : i32
    return %c0_i32, %c0_i32_0 : i32, i32
  }
  func.func @transform_6(%arg0: i32) -> (i32, i32) {
    %c0_i32 = arith.constant 0 : i32
    %c0_i32_0 = arith.constant 0 : i32
    return %arg0, %c0_i32 : i32, i32
  }
}

module attributes {stable_mosaic.version = 14 : i64} {
  func.func @body(%arg0: i32, %arg1: memref<1x1000x48xf32, #tpu.memory_space<vmem>>, %arg2: memref<1x1000x48xf32, #tpu.memory_space<vmem>>, %arg3: memref<1000x48xf32, #tpu.memory_space<vmem>>, %arg4: memref<1000x16xf32, #tpu.memory_space<vmem>>, %arg5: memref<1x48xf32, #tpu.memory_space<vmem>>, %arg6: memref<1000x48xf32, #tpu.memory_space<vmem>>) attributes {dimension_semantics = [#tpu.dimension_semantics<arbitrary>], iteration_bounds = array<i64: 10>, scalar_prefetch = 0 : i64, scratch_operands = 0 : i64, tpu.core_type = #tpu.core_type<tc>, window_params = [{transform_indices = @transform_0, window_bounds = array<i64: 1, 1000, 48>}, {transform_indices = @transform_1, window_bounds = array<i64: 1, 1000, 48>}, {transform_indices = @transform_2, window_bounds = array<i64: 1000, 48>}, {transform_indices = @transform_3, window_bounds = array<i64: 1000, 16>}, {pipeline_mode = #tpu.pipeline_mode<synchronous>, transform_indices = @transform_4, window_bounds = array<i64: 1, 48>}, {transform_indices = @transform_5, window_bounds = array<i64: 1000, 48>}]} {
    %get3A = arith.constant 0 : index
    %get3A_0 = arith.constant 0 : index
    %get3A_1 = vector.load %arg4[%get3A, %get3A_0] : memref<1000x16xf32, #tpu.memory_space<vmem>>, vector<1000x1xf32>
    %get3A_2 = arith.constant 0 : index
    %get3A_3 = arith.constant 0 : index
    %get3A_4 = arith.constant 0 : index
    %get3A_5 = vector.load %arg1[%get3A_2, %get3A_3, %get3A_4] : memref<1x1000x48xf32, #tpu.memory_space<vmem>>, vector<1x1000x48xf32>
    %get3A_6 = vector.shape_cast %get3A_5 : vector<1x1000x48xf32> to vector<1000x48xf32>
    %get3A_7 = arith.constant 0 : index
    %get3A_8 = arith.constant 0 : index
    %get3A_9 = arith.constant 0 : index
    %get3A_10 = vector.load %arg2[%get3A_7, %get3A_8, %get3A_9] : memref<1x1000x48xf32, #tpu.memory_space<vmem>>, vector<1x1000x48xf32>
    %get3A_11 = vector.shape_cast %get3A_10 : vector<1x1000x48xf32> to vector<1000x48xf32>
    %add3A = arith.addf %get3A_6, %get3A_11 : vector<1000x48xf32>
    %get3A_12 = arith.constant 0 : index
    %get3A_13 = arith.constant 0 : index
    %get3A_14 = vector.load %arg3[%get3A_12, %get3A_13] : memref<1000x48xf32, #tpu.memory_space<vmem>>, vector<1000x48xf32>
    %add3A_15 = arith.addf %add3A, %get3A_14 : vector<1000x48xf32>
    %mul3A = vector.broadcast %get3A_1 : vector<1000x1xf32> to vector<1000x48xf32>
    %mul3A_16 = arith.mulf %add3A_15, %mul3A : vector<1000x48xf32>
    %get3A_17 = arith.constant 0 : index
    %get3A_18 = arith.constant 0 : index
    %get3A_19 = vector.load %arg5[%get3A_17, %get3A_18] : memref<1x48xf32, #tpu.memory_space<vmem>>, vector<1x48xf32>
    %add3A_20 = vector.broadcast %get3A_19 : vector<1x48xf32> to vector<1000x48xf32>
    %add3A_21 = arith.addf %mul3A_16, %add3A_20 : vector<1000x48xf32>
    %swap3A = arith.constant 0 : index
    %swap3A_22 = arith.constant 0 : index
    %swap3A_23 = vector.load %arg6[%swap3A, %swap3A_22] : memref<1000x48xf32, #tpu.memory_space<vmem>>, vector<1000x48xf32>
    tpu.vector_store %arg6[%swap3A, %swap3A_22], %add3A_21 {strides = array<i32>} : memref<1000x48xf32, #tpu.memory_space<vmem>>, vector<1000x48xf32>,
    return
  }
  func.func @transform_0(%arg0: i32) -> (i32, i32, i32) {
    %c0_i32 = arith.constant 0 : i32
    %c0_i32_0 = arith.constant 0 : i32
    %c0_i32_1 = arith.constant 0 : i32
    return %c0_i32, %arg0, %c0_i32_0 : i32, i32, i32
  }
  func.func @transform_1(%arg0: i32) -> (i32, i32, i32) {
    %c1_i32 = arith.constant 1 : i32
    %c0_i32 = arith.constant 0 : i32
    %c0_i32_0 = arith.constant 0 : i32
    return %c1_i32, %arg0, %c0_i32 : i32, i32, i32
  }
  func.func @transform_2(%arg0: i32) -> (i32, i32) {
    %c0_i32 = arith.constant 0 : i32
    %c0_i32_0 = arith.constant 0 : i32
    return %arg0, %c0_i32 : i32, i32
  }
  func.func @transform_3(%arg0: i32) -> (i32, i32) {
    %c0_i32 = arith.constant 0 : i32
    %c0_i32_0 = arith.constant 0 : i32
    return %arg0, %c0_i32 : i32, i32
  }
  func.func @transform_4(%arg0: i32) -> (i32, i32) {
    %c0_i32 = arith.constant 0 : i32
    %c0_i32_0 = arith.constant 0 : i32
    %c0_i32_1 = arith.constant 0 : i32
    return %c0_i32, %c0_i32_0 : i32, i32
  }
  func.func @transform_5(%arg0: i32) -> (i32, i32) {
    %c0_i32 = arith.constant 0 : i32
    %c0_i32_0 = arith.constant 0 : i32
    return %arg0, %c0_i32 : i32, i32
  }
}

</mosaic_0001>

<sc_bundles>
// kernel: kernel.11.cloned.1.call-start
scs
__scs_entry_jumppad:
0x0: {  	(pc) =	sbr.rel $0x88, $3  }
0x1: {  	(tag) =	ssettag $0x0;
	lr =	simm.s32 $0x1  }
0x2: {  	[smem:$0x3F9B] =	sst lr;
	_ =	strace $0xD0000000  }
0x3: {  	_ = 	snop  }
0x4: {  	_ = 	snop  }
0x5: {  	_ = 	snop  }
0x6: {  	_ = 	snop  }
0x7: {  	_ = 	snop  }
__scs_overlays_trampoline_lowered:
0x8: {  	[smem:$0x3FAA] =	sst s0  }
0x9: {  	[smem:$0x3FAB] =	sst s1  }
0xa: {  	[smem:$0x3FAC] =	sst s2  }
0xb: {  	[smem:$0x3FAD] =	sst s3  }
0xc: {  	[smem:$0x3FAE] =	sst s4  }
0xd: {  	[smem:$0x3FAF] =	sst s5  }
0xe: {  	[smem:$0x3FB0] =	sst s6  }
0xf: {  	[smem:$0x3FB1] =	sst s7  }
0x10: {  	[smem:$0x3FB2] =	sst s8  }
0x11: {  	[smem:$0x3FB3] =	sst s9;
	s0 =	simm.s32 @!p0 $0x0  }
0x12: {  	s1 =	sld [smem:$0x3F99];
	s0 =	simm.s32 @p0 $0x1  }
0x13: {  	[smem:$0x3FB4] =	sst s0;
	s0 =	simm.s32 @!p1 $0x0  }
0x14: {  	s2 =	sld [smem:$0x3F98];
	s0 =	simm.s32 @p1 $0x1  }
0x15: {  	[smem:$0x3FB5] =	sst s0;
	s0 =	simm.s32 @!p2 $0x0  }
0x16: {  	s3 =	sld [smem:$0x3FDB];
	s0 =	simm.s32 @p2 $0x1  }
0x17: {  	s4 =	simm.s32 $0x1BF5;
	[smem:$0x3FB7] =	sst s0  }
0x18: {  	s0 =	sld [smem:$0x3F9A];
	_ =	swait.ge [sflag:s4], $0x0  }
0x19: {  	s7 =	sld [smem:$0x3F9B]  }
0x1a: {  	s8 =	sadd.s32 $0xFFFFE003, lr  }
0x1b: {  	s9 =	sadd.s32 $0xFFFFFEF7, lr;
	s5 =	simm.s32 $0xFFFFFFFF;
	p2 =	slt.u32 s8, $0xFFFFF086  }
0x1c: {  	p1 =	slt.u32 s9, $0xF7A;
	s5 =	simm.s32 @!p2 $0x0  }
0x1d: {  	s5 =	simm.s32 @p1 $0x1;
	p0 =	seq.s32 s7, s2  }
0x1e: {  	s7 =	smul.u32 @!p0 $0xF7A, s2;
	p2 =	seq.s32 @!p0 s5, $0x0  }
0x1f: {  	s9 =	smul.u32 $0xF7A, s1;
	s8 =	simm.s32 @!p0 $0x1BF5;
	p2 =	por !p2, p0  }
0x20: {  	[sflag:s8] =	ssyncset.s32 @!p0 $0xFFFFF086;
	s6 =	sadd.s32 @!p0 s3, s7;
	s7 =	simm.s32 @!p0 $0x108  }
0x21: {  	s3 =	sadd.s32 s3, s9;
	s6 =	sadd.s32 @!p0 $0x88, s6;
	s7 =	simm.s32 @p2 $0x1082  }
0x22: {  	[simem:s7], [sflag:s8] =	dma.local @!p0 [hbm:s6], $0xF7A  }
0x23: {  	s9 =	sor.u32 $0xD0000000, s2;
	s6 =	simm.s32 $0x108;
	_ =	swait.ge @!p0 [sflag:s8], $0x0  }
0x24: {  	s3 =	sadd.s32 $0x88, s3;
	s6 =	simm.s32 @!p1 $0x1082;
	[sflag:s4] =	ssyncset.s32 $0xFFFFF086  }
0x25: {  	[simem:s6], [sflag:s4] =	dma.local [hbm:s3], $0xF7A  }
0x26: {  	[smem:$0x3F9B] =	sst s1;
	(tag) =	ssettag s2;
	_ =	strace s9  }
0x27: {  	s1 =	sld [smem:$0x3FAB]  }
0x28: {  	s2 =	sld [smem:$0x3FAC]  }
0x29: {  	s4 =	sld [smem:$0x3FAE]  }
0x2a: {  	p0 =	seq.s32 s5, $0x0;
	s5 =	sld [smem:$0x3FAF]  }
0x2b: {  	s6 =	sld [smem:$0x3FB0]  }
0x2c: {  	s7 =	sld [smem:$0x3FB1]  }
0x2d: {  	s3 =	simm.s32 $0x108;
	s8 =	sld [smem:$0x3FB2]  }
0x2e: {  	s3 =	simm.s32 @!p0 $0x1082;
	s9 =	sld [smem:$0x3FB3]  }
0x2f: {  	lr =	sadd.s32 s0, s3;
	s0 =	sld [smem:$0x3FAA]  }
0x30: {  	s3 =	sld [smem:$0x3FAD]  }
0x31: {  	[smem:$0x3FB6] =	sst s10  }
0x32: {  	s10 =	sld [smem:$0x3FB4];
	_ =	sdelay $0x3  }
0x33: {  	p0 =	seq.s32 s10, $0x1;
	s10 =	sld [smem:$0x3FB6];
	_ =	sdelay $0x3  }
0x34: {  	[smem:$0x3FB6] =	sst s10  }
0x35: {  	s10 =	sld [smem:$0x3FB5];
	_ =	sdelay $0x3  }
0x36: {  	p1 =	seq.s32 s10, $0x1;
	s10 =	sld [smem:$0x3FB6];
	_ =	sdelay $0x3  }
0x37: {  	[smem:$0x3FB6] =	sst s10  }
0x38: {  	s10 =	sld [smem:$0x3FB7]  }
0x39: {  	_ = 	snop;
	(pc) =	sbr.ind lr, $3  }
0x3a: {  	_ = 	snop  }
0x3b: {  	_ = 	snop  }
0x3c: {  	p2 =	seq.s32 s10, $0x1;
	s10 =	sld [smem:$0x3FB6]  }
0x3d: {  	_ =	shalt  }
0x3e: {  	_ =	shalt  }
0x3f: {  	_ =	shalt  }
0x40: {  	_ =	shalt  }
0x41: {  	_ =	shalt  }
0x42: {  	_ =	shalt  }
0x43: {  	_ =	shalt  }
0x44: {  	_ =	shalt  }
0x45: {  	_ =	shalt  }
0x46: {  	_ =	shalt  }
0x47: {  	_ =	shalt  }
0x48: {  	_ =	shalt  }
0x49: {  	_ =	shalt  }
0x4a: {  	_ =	shalt  }
0x4b: {  	_ =	shalt  }
0x4c: {  	_ =	shalt  }
0x4d: {  	_ =	shalt  }
0x4e: {  	_ =	shalt  }
0x4f: {  	_ =	shalt  }
0x50: {  	_ =	shalt  }
0x51: {  	_ =	shalt  }
0x52: {  	_ =	shalt  }
0x53: {  	_ =	shalt  }
0x54: {  	_ =	shalt  }
0x55: {  	_ =	shalt  }
0x56: {  	_ =	shalt  }
0x57: {  	_ =	shalt  }
0x58: {  	_ =	shalt  }
0x59: {  	_ =	shalt  }
0x5a: {  	_ =	shalt  }
0x5b: {  	_ =	shalt  }
0x5c: {  	_ =	shalt  }
0x5d: {  	_ =	shalt  }
0x5e: {  	_ =	shalt  }
0x5f: {  	_ =	shalt  }
0x60: {  	_ =	shalt  }
0x61: {  	_ =	shalt  }
0x62: {  	_ =	shalt  }
0x63: {  	_ =	shalt  }
0x64: {  	_ =	shalt  }
0x65: {  	_ =	shalt  }
0x66: {  	_ =	shalt  }
0x67: {  	_ =	shalt  }
0x68: {  	_ =	shalt  }
0x69: {  	_ =	shalt  }
0x6a: {  	_ =	shalt  }
0x6b: {  	_ =	shalt  }
0x6c: {  	_ =	shalt  }
0x6d: {  	_ =	shalt  }
0x6e: {  	_ =	shalt  }
0x6f: {  	_ =	shalt  }
0x70: {  	_ =	shalt  }
0x71: {  	_ =	shalt  }
0x72: {  	_ =	shalt  }
0x73: {  	_ =	shalt  }
0x74: {  	_ =	shalt  }
0x75: {  	_ =	shalt  }
0x76: {  	_ =	shalt  }
0x77: {  	_ =	shalt  }
0x78: {  	_ =	shalt  }
0x79: {  	_ =	shalt  }
0x7a: {  	_ =	shalt  }
0x7b: {  	_ =	shalt  }
0x7c: {  	_ =	shalt  }
0x7d: {  	_ =	shalt  }
0x7e: {  	_ =	shalt  }
0x7f: {  	_ =	shalt  }
0x80: {  	_ =	shalt  }
0x81: {  	_ =	shalt  }
0x82: {  	_ =	shalt  }
0x83: {  	_ =	shalt  }
0x84: {  	_ =	shalt  }
0x85: {  	_ =	shalt  }
0x86: {  	_ =	shalt  }
0x87: {  	_ =	shalt  }
.Lfunc_end0:
.L_simem_size_0:
called_computation.1_lowered:
.L_overlay_start_0:
0x88: {  	s2 =	sld [smem:$0x3FD9]  }
0x89: {  	s3 =	sld [smem:$0x3FFE];
	_ =	sdelay $0x1  }
0x8a: {  	s1 =	srdreg.scid  }
0x8b: {  	s0 =	sand.u32 $0x1, s1  }
0x8c: {  	s16 =	sshll.u32 s0, $0xA;
	s2 =	sadd.s32 s3, s2  }
0x8d: {  	s2 =	sadd.s32 s2, s16  }
0x8e: {  	[smem:$0x3FC2] =	sst s2  }
0x8f: {  	_ = 	snop  }
0x90: {  	(tm) =	ssettm $0x1  }
0x91: {  	s17 =	sld [smem:$0x3FFB];
	_ =	sdelay $0x3  }
0x92: {  	_ =	strace s17  }
0x93: {  	s2 =	sld [smem:$0x3FFC];
	_ =	sdelay $0x3  }
0x94: {  	_ =	strace s2  }
0x95: {  	s2 =	sld [smem:$0x3FFD];
	_ =	sdelay $0x3  }
0x96: {  	_ =	strace s2  }
0x97: {  	_ =	strace $0x8FFFFFFF  }
0x98: {  	s18 =	sld [smem:$0x3FDB];
	_ =	sdelay $0x1  }
0x99: {  	s19 =	simm.s32 $_scs_section_size  }
0x9a: {  	s4 =	simm.s32 $_size__tile_overlayer_lowered;
	s5 =	simm.s32 $_tile_overlayer_lowered  }
0x9b: {  	s22 =	simm.s32 $0x1BFF;
	s21 =	sshll.u32 s5, $0x1;
	s2 =	sadd.s32 s19, s18  }
0x9c: {  	s6 =	simm.s32 $0x0;
	s20 =	sshll.u32 s4, $0x1;
	s4 =	sadd.s32 s21, s2  }
0x9d: {  	[timem:s6], [sflag:s22] =	dma.local [hbm:s4], s20  }
0x9e: {  	_ =	swait.ge [sflag:s22], s20  }
0x9f: {  	s3 =	ssub.s32 $0x0, s20;
	[sflag:s22] =	ssyncset.done $0x0  }
0xa0: {  	[sflag:s22] =	ssyncadd.s32 s3;
	_ =	sdelay $0x1  }
0xa1: {  	s23 =	simm.s32 $0x1B8B  }
0xa2: {  	_ =	swait.ge [sflag:s23], $0x1  }
0xa3: {  	[sflag:s23] =	ssyncset.done $0x0  }
0xa4: {  	s25 =	simm.s32 $0x1B8E;
	s24 =	sld [smem:$0x3FFE];
	[sflag:s23] =	ssyncadd.s32 $0xFFFFFFFF  }
0xa5: {  	s26 =	simm.s32 $execute0_lowered;
	[smem:$0x3FD2] =	sst s25  }
0xa6: {  	s4 =	sshll.u32 s26, $0x1;
	_ =	strace $0x80000049;
	[dreg:$0x1] =	wrdreg $0xFFFFFFFF  }
0xa7: {  	s28 =	simm.s32 $_size_execute0_lowered;
	s2 =	sadd.s32 s2, s4;
	[dreg:$0x0] =	wrdreg $0x0  }
0xa8: {  	s4 =	sshll.u32 s28, $0x1;
	[dreg:$0x2] =	wrdreg s2  }
0xa9: {  	[dreg:$0x3] =	wrdreg s4  }
0xaa: {  	[dreg:$0x4] =	wrdreg $0xC0  }
0xab: {  	_ =	task [dreg:s6], $0x5FFFF  }
0xac: {  	[dreg:$0x1] =	wrdreg $0xFFFFFFFF  }
0xad: {  	[dreg:$0x0] =	wrdreg $0x60  }
0xae: {  	[dreg:$0x2] =	wrdreg s24  }
0xaf: {  	[dreg:$0x3] =	wrdreg $0xBEC00  }
0xb0: {  	[dreg:$0x4] =	wrdreg $0x9  }
0xb1: {  	_ =	task.clear_ibuf [dreg:s6], $0x5FFFF;
	_ =	strace $0x90000049  }
0xb2: {  	s29 =	simm.s32 $0x9;
	_ =	strace $0x8000004B  }
0xb3: {  	_ =	swait.ge [sflag:s29], $0x1  }
0xb4: {  	[sflag:s29] =	ssyncadd.s32 $0xFFFFFFFF  }
0xb5: {  	_ =	strace $0x9000004B  }
0xb6: {  	_ =	sfence  }
0xb7: {  	s30 =	sld [smem:$0x0];
	_ =	sdelay $0x2  }
0xb8: {  	s31 =	sshll.u32 s1, $0xD;
	s1 =	sshrl.u32 s1, $0x2  }
0xb9: {  	s3 =	sand.u32 $0x4000, s31;
	s1 =	sadd.s32 s1, s30  }
0xba: {  	s0 =	sor.u32 s3, s0;
	s1 =	sshll.u32 s1, $0x11  }
0xbb: {  	s0 =	sor.u32 s1, s0  }
0xbc: {  	s0 =	sadd.s32 $0x8F2B, s0  }
0xbd: {  	[sflag:s0] =	ssyncadd.remote.s32 $0x1  }
0xbe: {  	_ =	sfence.sel $0xFFFF  }
0xbf: {  	[dreg:$0x0] =	wrdreg $0xFFFFFFFF;
	(pc) =	sbr.abs _section_cstart, $3  }
0xc0: {  	[dreg:$0x1] =	wrdreg $0xFFFFFFFF  }
0xc1: {  	_ =	task.clear_ibuf [dreg:s6], $0x2FFFF;
	_ =	strace $0x9FFFFFFF  }
0xc2: {  	(tm) =	ssettm $0x7FFFFFFF  }
0xc3: {  	_ =	shalt  }
tec
execute0_lowered:
.L_overlay_start_1:
0x0: {  	(tag) =	ssettag $0x1  }
0x1: {  	s0 =	srdreg.scid;
	s5 =	rddreg [dreg:$0x0]  }
0x2: {  	s11 =	stileid.u32;
	s2 =	rddreg [dreg:$0x1];
	s3 =	simm.s32 $0x0  }
0x3: {  	s12 =	simm.s32 $0x9;
	s14 =	simm.s32 $0x38;
	s15 =	simm.s32 $0x4EC0  }
0x4: {  	s16 =	simm.s32 $0x6AC0;
	s17 =	simm.s32 $0x1;
	s18 =	simm.s32 $0x2  }
0x5: {  	s19 =	simm.s32 $0x86C0;
	s20 =	simm.s32 $0xA2C0;
	s21 =	simm.s32 $0x5  }
0x6: {  	s22 =	simm.s32 $0x6;
	s23 =	simm.s32 $0x3;
	s24 =	simm.s32 $0x4  }
0x7: {  	s25 =	simm.s32 $0x7;
	s26 =	simm.s32 $0x8;
	s31 =	simm.s32 $0x2728  }
0x8: {  	s13 =	simm.s32 $0x0;
	s0 =	sand.u32 $0x1, s0;
	s6 =	smul.u32 $0x13C00, s11  }
0x9: {  	[smem:$0x7FF] =	sst s3;
	s4 =	sadd.s32 $0x1AE00, s5;
	s29 =	sshll.u32 s11, $0x6  }
0xa: {  	s1 =	sshll.u32 s0, $0x4;
	s7 =	smul.u32 $0x13C000, s0;
	_ =	strace $0x8000004A  }
0xb: {  	s0 =	ssub.s32 $0x2, s0;
	s1 =	sor.u32 s11, s1;
	s8 =	sshrl.u32 s6, $0x3  }
0xc: {  	s9 =	sshrl.u32 s0, $0x1;
	s30 =	sadd.s32 s6, s2;
	s1 =	smul.u32 $0x4EC, s1  }
0xd: {  	s7 =	sadd.s32 s6, s7;
	s8 =	sadd.s32 s8, s5;
	s0 =	ssub.s32 s0, s9  }
0xe: {  	s6 =	sor.u32 $0x1C09, s29;
	s11 =	sshrl.u32 s30, $0x3;
	s7 =	sshrl.u32 s7, $0x3  }
0xf: {  	s1 =	sadd.s32 s1, s5;
	s10 =	sadd.s32 s7, s5;
	s5 =	sadd.s32 $0x42000, s8  }
0x10: {  	s7 =	sadd.s32 $0x11000, s1;
	s8 =	sadd.s32 $0x2000, s1;
	s9 =	sadd.s32 $0x69800, s10  }
0x11: {  	s10 =	smax.u32 s0, $0x1;
	s1 =	simm.s32 $0x4E50;
	s0 =	simm.s32 $0x4E88  }
.LBB2_1:
0x12: {  	[spmem:s11], [sflag:s6] =	dma.local [hbm:s5], $0x2780  }
0x13: {  	_ =	swait.ge [sflag:s12], $0x2780  }
0x14: {  	[sflag:s12] =	ssyncset.done $0x0  }
0x15: {  	[sflag:s12] =	ssyncadd.s32 $0xFFFFD880  }
0x16: {  	[tilespmem:s3], [sflag:$0x9] =	stream.linear.gather [hbm4b:s7+s3], $0x2760, $0x38;
	[tilespmem:$0x1FAC0] =	vst v63  }
0x17: {  	_ =	swait.ge [sflag:s12], $0x2760  }
0x18: {  	[sflag:s12] =	ssyncset.done $0x0  }
0x19: {  	s28 =	simm.s32 $0x2760;
	[sflag:s12] =	ssyncadd.s32 $0xFFFFD8A0  }
0x1a: {  	[tilespmem:s28], [sflag:$0x9] =	stream.linear.gather [hbm4b:s8+s3], $0x2760, $0x38;
	[tilespmem:$0x1FAC0] =	vst v63  }
0x1b: {  	_ =	swait.ge [sflag:s12], $0x2760  }
0x1c: {  	[sflag:s12] =	ssyncset.done $0x0  }
0x1d: {  	[sflag:s12] =	ssyncadd.s32 $0xFFFFD8A0  }
0x1e: {  	[bflag:$0x0] =	sbarrier.arrive $0xFFFF  }
0x1f: {  	[tilespmem:s15], [sflag:$0x1] =	stream.indirect.gather [hbm4b:s4+s14], $0x80, s3, s14, $0xb8;
	[tilespmem:$0x1FAC0] =	vst v63  }
0x20: {  	_ = 	snop  }
0x21: {  	[tilespmem:s16], [sflag:$0x2] =	stream.indirect.gather [hbm4b:s4+s14], $0x80, s14, s14, $0xb8;
	[tilespmem:$0x1FAC0] =	vst v63  }
0x22: {  	_ =	swait.ge [sflag:s17], $0x1C00  }
0x23: {  	[sflag:s17] =	ssyncset.done $0x0  }
0x24: {  	[sflag:s17] =	ssyncadd.s32 $0xFFFFE400  }
0x25: {  	_ =	swait.ge [sflag:s18], $0x1C00  }
0x26: {  	[sflag:s18] =	ssyncset.done $0x0  }
0x27: {  	s28 =	simm.s32 $0x2760;
	[sflag:s18] =	ssyncadd.s32 $0xFFFFE400  }
0x28: {  	[spmem:s2] =	stream.indirect.scatter.add.f32 [tilespmem:s15], [sflag:$0x5], $0x80, s28, s14, $0xb8;
	[tilespmem:$0x1FAC0] =	vst v63  }
0x29: {  	s28 =	simm.s32 $0x2798  }
0x2a: {  	[spmem:s2] =	stream.indirect.scatter.add.f32 [tilespmem:s16], [sflag:$0x6], $0x80, s28, s14, $0xb8;
	[tilespmem:$0x1FAC0] =	vst v63  }
0x2b: {  	s28 =	simm.s32 $0x70  }
0x2c: {  	[tilespmem:s19], [sflag:$0x3] =	stream.indirect.gather [hbm4b:s4+s14], $0x80, s28, s14, $0xb8;
	[tilespmem:$0x1FAC0] =	vst v63  }
0x2d: {  	s28 =	simm.s32 $0xA8  }
0x2e: {  	[tilespmem:s20], [sflag:$0x4] =	stream.indirect.gather [hbm4b:s4+s14], $0x80, s28, s14, $0xb8;
	[tilespmem:$0x1FAC0] =	vst v63  }
0x2f: {  	_ =	swait.ge [sflag:s21], $0x1C00  }
0x30: {  	[sflag:s21] =	ssyncset.done $0x0  }
0x31: {  	[sflag:s21] =	ssyncadd.s32 $0xFFFFE400  }
0x32: {  	_ =	swait.ge [sflag:s22], $0x1C00  }
0x33: {  	[sflag:s22] =	ssyncset.done $0x0  }
0x34: {  	[sflag:s22] =	ssyncadd.s32 $0xFFFFE400  }
0x35: {  	_ =	swait.ge [sflag:s23], $0x1C00  }
0x36: {  	[sflag:s23] =	ssyncset.done $0x0  }
0x37: {  	[sflag:s23] =	ssyncadd.s32 $0xFFFFE400  }
0x38: {  	_ =	swait.ge [sflag:s24], $0x1C00  }
0x39: {  	[sflag:s24] =	ssyncset.done $0x0  }
0x3a: {  	s28 =	simm.s32 $0x27D0;
	[sflag:s24] =	ssyncadd.s32 $0xFFFFE400  }
0x3b: {  	[spmem:s2] =	stream.indirect.scatter.add.f32 [tilespmem:s19], [sflag:$0x7], $0x80, s28, s14, $0xb8;
	[tilespmem:$0x1FAC0] =	vst v63  }
0x3c: {  	s28 =	simm.s32 $0x2808  }
0x3d: {  	[spmem:s2] =	stream.indirect.scatter.add.f32 [tilespmem:s20], [sflag:$0x8], $0x80, s28, s14, $0xb8;
	[tilespmem:$0x1FAC0] =	vst v63  }
0x3e: {  	s28 =	simm.s32 $0xE0  }
0x3f: {  	[tilespmem:s15], [sflag:$0x1] =	stream.indirect.gather [hbm4b:s4+s14], $0x80, s28, s14, $0xb8;
	[tilespmem:$0x1FAC0] =	vst v63  }
0x40: {  	s28 =	simm.s32 $0x118  }
0x41: {  	[tilespmem:s16], [sflag:$0x2] =	stream.indirect.gather [hbm4b:s4+s14], $0x80, s28, s14, $0xb8;
	[tilespmem:$0x1FAC0] =	vst v63  }
0x42: {  	_ =	swait.ge [sflag:s25], $0x1C00  }
0x43: {  	[sflag:s25] =	ssyncset.done $0x0  }
0x44: {  	[sflag:s25] =	ssyncadd.s32 $0xFFFFE400  }
0x45: {  	_ =	swait.ge [sflag:s26], $0x1C00  }
0x46: {  	s28 =	simm.s32 $0x380;
	[sflag:s26] =	ssyncset.done $0x0  }
.LBB2_2:
0x47: {  	p0 =	sne.s32 s28, $0x9680  }
0x48: {  	[sflag:s26] =	ssyncadd.s32 $0xFFFFE400;
	s29 =	smov.u32 s28;
	s28 =	sadd.s32 $0x380, s28  }
0x49: {  	_ =	swait.ge [sflag:s17], $0x1C00  }
0x4a: {  	[sflag:s17] =	ssyncset.done $0x0  }
0x4b: {  	[sflag:s17] =	ssyncadd.s32 $0xFFFFE400  }
0x4c: {  	_ =	swait.ge [sflag:s18], $0x1C00  }
0x4d: {  	s29 =	sshra.s32 s29, $0x2;
	[sflag:s18] =	ssyncset.done $0x0  }
0x4e: {  	s30 =	sadd.s32 $0x2760, s29;
	[sflag:s18] =	ssyncadd.s32 $0xFFFFE400  }
0x4f: {  	[spmem:s2] =	stream.indirect.scatter.add.f32 [tilespmem:s15], [sflag:$0x5], $0x80, s30, s14, $0xb8;
	[tilespmem:$0x1FAC0] =	vst v63  }
0x50: {  	s30 =	sadd.s32 $0x2798, s29  }
0x51: {  	[spmem:s2] =	stream.indirect.scatter.add.f32 [tilespmem:s16], [sflag:$0x6], $0x80, s30, s14, $0xb8;
	[tilespmem:$0x1FAC0] =	vst v63  }
0x52: {  	s30 =	sadd.s32 $0x70, s29  }
0x53: {  	[tilespmem:s19], [sflag:$0x3] =	stream.indirect.gather [hbm4b:s4+s14], $0x80, s30, s14, $0xb8;
	[tilespmem:$0x1FAC0] =	vst v63  }
0x54: {  	s30 =	sadd.s32 $0xA8, s29  }
0x55: {  	[tilespmem:s20], [sflag:$0x4] =	stream.indirect.gather [hbm4b:s4+s14], $0x80, s30, s14, $0xb8;
	[tilespmem:$0x1FAC0] =	vst v63  }
0x56: {  	_ =	swait.ge [sflag:s21], $0x1C00  }
0x57: {  	[sflag:s21] =	ssyncset.done $0x0  }
0x58: {  	[sflag:s21] =	ssyncadd.s32 $0xFFFFE400  }
0x59: {  	_ =	swait.ge [sflag:s22], $0x1C00  }
0x5a: {  	[sflag:s22] =	ssyncset.done $0x0  }
0x5b: {  	[sflag:s22] =	ssyncadd.s32 $0xFFFFE400  }
0x5c: {  	_ =	swait.ge [sflag:s23], $0x1C00  }
0x5d: {  	[sflag:s23] =	ssyncset.done $0x0  }
0x5e: {  	[sflag:s23] =	ssyncadd.s32 $0xFFFFE400  }
0x5f: {  	_ =	swait.ge [sflag:s24], $0x1C00  }
0x60: {  	[sflag:s24] =	ssyncset.done $0x0  }
0x61: {  	s30 =	sadd.s32 $0x27D0, s29;
	[sflag:s24] =	ssyncadd.s32 $0xFFFFE400  }
0x62: {  	[spmem:s2] =	stream.indirect.scatter.add.f32 [tilespmem:s19], [sflag:$0x7], $0x80, s30, s14, $0xb8;
	[tilespmem:$0x1FAC0] =	vst v63  }
0x63: {  	s30 =	sadd.s32 $0x2808, s29  }
0x64: {  	[spmem:s2] =	stream.indirect.scatter.add.f32 [tilespmem:s20], [sflag:$0x8], $0x80, s30, s14, $0xb8;
	[tilespmem:$0x1FAC0] =	vst v63  }
0x65: {  	s30 =	sadd.s32 $0xE0, s29  }
0x66: {  	[tilespmem:s15], [sflag:$0x1] =	stream.indirect.gather [hbm4b:s4+s14], $0x80, s30, s14, $0xb8;
	[tilespmem:$0x1FAC0] =	vst v63  }
0x67: {  	s29 =	sadd.s32 $0x118, s29  }
0x68: {  	[tilespmem:s16], [sflag:$0x2] =	stream.indirect.gather [hbm4b:s4+s14], $0x80, s29, s14, $0xb8;
	[tilespmem:$0x1FAC0] =	vst v63  }
.Ltmp0:
0x69: {  	_ =	swait.ge [sflag:s25], $0x1C00;
	(pc) =	sbr.rel @p0 .LBB2_2-.Ltmp0, $4  }
0x6a: {  	[sflag:s25] =	ssyncset.done $0x0  }
0x6b: {  	[sflag:s25] =	ssyncadd.s32 $0xFFFFE400  }
0x6c: {  	_ =	swait.ge [sflag:s26], $0x1C00  }
0x6d: {  	[sflag:s26] =	ssyncset.done $0x0  }
0x6e: {  	[sflag:s26] =	ssyncadd.s32 $0xFFFFE400  }
0x6f: {  	_ =	swait.ge [sflag:s17], $0x1C00  }
0x70: {  	[sflag:s17] =	ssyncset.done $0x0  }
0x71: {  	[sflag:s17] =	ssyncadd.s32 $0xFFFFE400  }
0x72: {  	_ =	swait.ge [sflag:s18], $0x1C00  }
0x73: {  	[sflag:s18] =	ssyncset.done $0x0  }
0x74: {  	s28 =	simm.s32 $0x4DE0;
	[sflag:s18] =	ssyncadd.s32 $0xFFFFE400  }
0x75: {  	[spmem:s2] =	stream.indirect.scatter.add.f32 [tilespmem:s15], [sflag:$0x5], $0x80, s28, s14, $0xb8;
	[tilespmem:$0x1FAC0] =	vst v63  }
0x76: {  	s29 =	simm.s32 $0x4E18  }
0x77: {  	[spmem:s2] =	stream.indirect.scatter.add.f32 [tilespmem:s16], [sflag:$0x6], $0x80, s29, s14, $0xb8;
	[tilespmem:$0x1FAC0] =	vst v63  }
0x78: {  	s30 =	simm.s32 $0x26F0  }
0x79: {  	[tilespmem:s19], [sflag:$0x3] =	stream.indirect.gather [hbm4b:s4+s14], $0x80, s30, s14, $0xb8;
	[tilespmem:$0x1FAC0] =	vst v63  }
0x7a: {  	_ = 	snop  }
0x7b: {  	[tilespmem:s20], [sflag:$0x4] =	stream.indirect.gather [hbm4b:s4+s14], $0x80, s31, s14, $0xb8;
	[tilespmem:$0x1FAC0] =	vst v63  }
0x7c: {  	_ =	swait.ge [sflag:s21], $0x1C00  }
0x7d: {  	[sflag:s21] =	ssyncset.done $0x0  }
0x7e: {  	[sflag:s21] =	ssyncadd.s32 $0xFFFFE400  }
0x7f: {  	_ =	swait.ge [sflag:s22], $0x1C00  }
0x80: {  	[sflag:s22] =	ssyncset.done $0x0  }
0x81: {  	[sflag:s22] =	ssyncadd.s32 $0xFFFFE400  }
0x82: {  	_ =	swait.ge [sflag:s23], $0x1C00  }
0x83: {  	[sflag:s23] =	ssyncset.done $0x0  }
0x84: {  	[sflag:s23] =	ssyncadd.s32 $0xFFFFE400  }
0x85: {  	_ =	swait.ge [sflag:s24], $0x1C00  }
0x86: {  	[sflag:s24] =	ssyncset.done $0x0  }
0x87: {  	[sflag:s24] =	ssyncadd.s32 $0xFFFFE400  }
0x88: {  	[spmem:s2] =	stream.indirect.scatter.add.f32 [tilespmem:s19], [sflag:$0x7], $0x80, s1, s14, $0xb8;
	[tilespmem:$0x1FAC0] =	vst v63  }
0x89: {  	_ = 	snop  }
0x8a: {  	[spmem:s2] =	stream.indirect.scatter.add.f32 [tilespmem:s20], [sflag:$0x8], $0x80, s0, s14, $0xb8;
	[tilespmem:$0x1FAC0] =	vst v63  }
0x8b: {  	_ =	swait.ge [sflag:s25], $0x1C00  }
0x8c: {  	[sflag:s25] =	ssyncset.done $0x0  }
0x8d: {  	[sflag:s25] =	ssyncadd.s32 $0xFFFFE400  }
0x8e: {  	_ =	swait.ge [sflag:s26], $0x1C00  }
0x8f: {  	s13 =	sadd.s32 $0x1, s13;
	[sflag:s26] =	ssyncset.done $0x0  }
0x90: {  	p0 =	sne.s32 s13, s10;
	[sflag:s26] =	ssyncadd.s32 $0xFFFFE400  }
.Ltmp1:
0x91: {  	[bflag:$0x0] =	sbarrier.arrive $0xFFFF;
	(pc) =	sbr.rel @p0 .LBB2_1-.Ltmp1, $4  }
0x92: {  	[hbm:s9], [sflag:s6] =	dma.local [spmem:s11], $0x2780  }
0x93: {  	_ =	swait.ge [sflag:s12], $0x2780  }
0x94: {  	[sflag:s12] =	ssyncset.done $0x0  }
0x95: {  	[sflag:s12] =	ssyncadd.s32 $0xFFFFD880  }
0x96: {  	_ =	sfence.sel $0x180000  }
0x97: {  	[bflag:$0x0] =	sbarrier.arrive $0xFFFF  }
0x98: {  	_ =	strace $0x9000004A  }
0x99: {  	s0 =	stileid.u32;
	[bflag:$0x2] =	sbarrier.arrive $0xFFFF  }
0x9a: {  	p0 =	sne.s32 s0, $0x0;
	s0 =	rddreg [dreg:$0x2]  }
0x9b: {  	s0 =	sadd.s32 @!p0 $0x100000, s0  }
0x9c: {  	[sflag:s0] =	ssyncadd.tile.s32 @!p0 $0x1;
	_ =	shalt  }
.Lfunc_end2:
_tile_overlayer_lowered:
.L_overlay_start_2:
0x9d: {  	(tag) =	ssettag $0x2  }
0x9e: {  	s0 =	rddreg [dreg:$0x0];
	s2 =	stileid.u32  }
0x9f: {  	s1 =	rddreg [dreg:$0x1];
	p0 =	sne.s32 s2, $0x0  }
0xa0: {  	s3 =	rddreg [dreg:$0x2];
	[bflag:$0x3] =	sbarrier.arrive $0xFFFF;
	s2 =	simm.s32 @!p0 $0x1C09  }
0xa1: {  	[timem:s3], [sflag:s2] =	dma.local @!p0 [hbm:s0], s1  }
0xa2: {  	s0 =	simm.s32 @!p0 $0x9  }
0xa3: {  	_ =	swait.ge @!p0 [sflag:s0], s1  }
0xa4: {  	s1 =	ssub.s32 @!p0 $0x0, s1;
	[sflag:s0] =	ssyncset.done @!p0 $0x0  }
0xa5: {  	[sflag:s0] =	ssyncadd.s32 @!p0 s1  }
0xa6: {  	[bflag:$0x3] =	sbarrier.arrive $0xFFFF  }
0xa7: {  	_ =	shalt  }

// kernel: kernel.14.cloned.1.call-start
scs
__scs_entry_jumppad:
0x0: {  	(pc) =	sbr.rel $0x88, $3  }
0x1: {  	(tag) =	ssettag $0x0;
	lr =	simm.s32 $0x1  }
0x2: {  	[smem:$0x3F9B] =	sst lr;
	_ =	strace $0xD0000000  }
0x3: {  	_ = 	snop  }
0x4: {  	_ = 	snop  }
0x5: {  	_ = 	snop  }
0x6: {  	_ = 	snop  }
0x7: {  	_ = 	snop  }
__scs_overlays_trampoline_lowered:
0x8: {  	[smem:$0x3FAA] =	sst s0  }
0x9: {  	[smem:$0x3FAB] =	sst s1  }
0xa: {  	[smem:$0x3FAC] =	sst s2  }
0xb: {  	[smem:$0x3FAD] =	sst s3  }
0xc: {  	[smem:$0x3FAE] =	sst s4  }
0xd: {  	[smem:$0x3FAF] =	sst s5  }
0xe: {  	[smem:$0x3FB0] =	sst s6  }
0xf: {  	[smem:$0x3FB1] =	sst s7  }
0x10: {  	[smem:$0x3FB2] =	sst s8  }
0x11: {  	[smem:$0x3FB3] =	sst s9;
	s0 =	simm.s32 @!p0 $0x0  }
0x12: {  	s1 =	sld [smem:$0x3F99];
	s0 =	simm.s32 @p0 $0x1  }
0x13: {  	[smem:$0x3FB4] =	sst s0;
	s0 =	simm.s32 @!p1 $0x0  }
0x14: {  	s2 =	sld [smem:$0x3F98];
	s0 =	simm.s32 @p1 $0x1  }
0x15: {  	[smem:$0x3FB5] =	sst s0;
	s0 =	simm.s32 @!p2 $0x0  }
0x16: {  	s3 =	sld [smem:$0x3FDB];
	s0 =	simm.s32 @p2 $0x1  }
0x17: {  	s4 =	simm.s32 $0x1BF5;
	[smem:$0x3FB7] =	sst s0  }
0x18: {  	s0 =	sld [smem:$0x3F9A];
	_ =	swait.ge [sflag:s4], $0x0  }
0x19: {  	s7 =	sld [smem:$0x3F9B]  }
0x1a: {  	s8 =	sadd.s32 $0xFFFFE003, lr  }
0x1b: {  	s9 =	sadd.s32 $0xFFFFFEF7, lr;
	s5 =	simm.s32 $0xFFFFFFFF;
	p2 =	slt.u32 s8, $0xFFFFF086  }
0x1c: {  	p1 =	slt.u32 s9, $0xF7A;
	s5 =	simm.s32 @!p2 $0x0  }
0x1d: {  	s5 =	simm.s32 @p1 $0x1;
	p0 =	seq.s32 s7, s2  }
0x1e: {  	s7 =	smul.u32 @!p0 $0xF7A, s2;
	p2 =	seq.s32 @!p0 s5, $0x0  }
0x1f: {  	s9 =	smul.u32 $0xF7A, s1;
	s8 =	simm.s32 @!p0 $0x1BF5;
	p2 =	por !p2, p0  }
0x20: {  	[sflag:s8] =	ssyncset.s32 @!p0 $0xFFFFF086;
	s6 =	sadd.s32 @!p0 s3, s7;
	s7 =	simm.s32 @!p0 $0x108  }
0x21: {  	s3 =	sadd.s32 s3, s9;
	s6 =	sadd.s32 @!p0 $0x88, s6;
	s7 =	simm.s32 @p2 $0x1082  }
0x22: {  	[simem:s7], [sflag:s8] =	dma.local @!p0 [hbm:s6], $0xF7A  }
0x23: {  	s9 =	sor.u32 $0xD0000000, s2;
	s6 =	simm.s32 $0x108;
	_ =	swait.ge @!p0 [sflag:s8], $0x0  }
0x24: {  	s3 =	sadd.s32 $0x88, s3;
	s6 =	simm.s32 @!p1 $0x1082;
	[sflag:s4] =	ssyncset.s32 $0xFFFFF086  }
0x25: {  	[simem:s6], [sflag:s4] =	dma.local [hbm:s3], $0xF7A  }
0x26: {  	[smem:$0x3F9B] =	sst s1;
	(tag) =	ssettag s2;
	_ =	strace s9  }
0x27: {  	s1 =	sld [smem:$0x3FAB]  }
0x28: {  	s2 =	sld [smem:$0x3FAC]  }
0x29: {  	s4 =	sld [smem:$0x3FAE]  }
0x2a: {  	p0 =	seq.s32 s5, $0x0;
	s5 =	sld [smem:$0x3FAF]  }
0x2b: {  	s6 =	sld [smem:$0x3FB0]  }
0x2c: {  	s7 =	sld [smem:$0x3FB1]  }
0x2d: {  	s3 =	simm.s32 $0x108;
	s8 =	sld [smem:$0x3FB2]  }
0x2e: {  	s3 =	simm.s32 @!p0 $0x1082;
	s9 =	sld [smem:$0x3FB3]  }
0x2f: {  	lr =	sadd.s32 s0, s3;
	s0 =	sld [smem:$0x3FAA]  }
0x30: {  	s3 =	sld [smem:$0x3FAD]  }
0x31: {  	[smem:$0x3FB6] =	sst s10  }
0x32: {  	s10 =	sld [smem:$0x3FB4];
	_ =	sdelay $0x3  }
0x33: {  	p0 =	seq.s32 s10, $0x1;
	s10 =	sld [smem:$0x3FB6];
	_ =	sdelay $0x3  }
0x34: {  	[smem:$0x3FB6] =	sst s10  }
0x35: {  	s10 =	sld [smem:$0x3FB5];
	_ =	sdelay $0x3  }
0x36: {  	p1 =	seq.s32 s10, $0x1;
	s10 =	sld [smem:$0x3FB6];
	_ =	sdelay $0x3  }
0x37: {  	[smem:$0x3FB6] =	sst s10  }
0x38: {  	s10 =	sld [smem:$0x3FB7]  }
0x39: {  	_ = 	snop;
	(pc) =	sbr.ind lr, $3  }
0x3a: {  	_ = 	snop  }
0x3b: {  	_ = 	snop  }
0x3c: {  	p2 =	seq.s32 s10, $0x1;
	s10 =	sld [smem:$0x3FB6]  }
0x3d: {  	_ =	shalt  }
0x3e: {  	_ =	shalt  }
0x3f: {  	_ =	shalt  }
0x40: {  	_ =	shalt  }
0x41: {  	_ =	shalt  }
0x42: {  	_ =	shalt  }
0x43: {  	_ =	shalt  }
0x44: {  	_ =	shalt  }
0x45: {  	_ =	shalt  }
0x46: {  	_ =	shalt  }
0x47: {  	_ =	shalt  }
0x48: {  	_ =	shalt  }
0x49: {  	_ =	shalt  }
0x4a: {  	_ =	shalt  }
0x4b: {  	_ =	shalt  }
0x4c: {  	_ =	shalt  }
0x4d: {  	_ =	shalt  }
0x4e: {  	_ =	shalt  }
0x4f: {  	_ =	shalt  }
0x50: {  	_ =	shalt  }
0x51: {  	_ =	shalt  }
0x52: {  	_ =	shalt  }
0x53: {  	_ =	shalt  }
0x54: {  	_ =	shalt  }
0x55: {  	_ =	shalt  }
0x56: {  	_ =	shalt  }
0x57: {  	_ =	shalt  }
0x58: {  	_ =	shalt  }
0x59: {  	_ =	shalt  }
0x5a: {  	_ =	shalt  }
0x5b: {  	_ =	shalt  }
0x5c: {  	_ =	shalt  }
0x5d: {  	_ =	shalt  }
0x5e: {  	_ =	shalt  }
0x5f: {  	_ =	shalt  }
0x60: {  	_ =	shalt  }
0x61: {  	_ =	shalt  }
0x62: {  	_ =	shalt  }
0x63: {  	_ =	shalt  }
0x64: {  	_ =	shalt  }
0x65: {  	_ =	shalt  }
0x66: {  	_ =	shalt  }
0x67: {  	_ =	shalt  }
0x68: {  	_ =	shalt  }
0x69: {  	_ =	shalt  }
0x6a: {  	_ =	shalt  }
0x6b: {  	_ =	shalt  }
0x6c: {  	_ =	shalt  }
0x6d: {  	_ =	shalt  }
0x6e: {  	_ =	shalt  }
0x6f: {  	_ =	shalt  }
0x70: {  	_ =	shalt  }
0x71: {  	_ =	shalt  }
0x72: {  	_ =	shalt  }
0x73: {  	_ =	shalt  }
0x74: {  	_ =	shalt  }
0x75: {  	_ =	shalt  }
0x76: {  	_ =	shalt  }
0x77: {  	_ =	shalt  }
0x78: {  	_ =	shalt  }
0x79: {  	_ =	shalt  }
0x7a: {  	_ =	shalt  }
0x7b: {  	_ =	shalt  }
0x7c: {  	_ =	shalt  }
0x7d: {  	_ =	shalt  }
0x7e: {  	_ =	shalt  }
0x7f: {  	_ =	shalt  }
0x80: {  	_ =	shalt  }
0x81: {  	_ =	shalt  }
0x82: {  	_ =	shalt  }
0x83: {  	_ =	shalt  }
0x84: {  	_ =	shalt  }
0x85: {  	_ =	shalt  }
0x86: {  	_ =	shalt  }
0x87: {  	_ =	shalt  }
.Lfunc_end0:
.L_simem_size_0:
called_computation.2_lowered:
.L_overlay_start_0:
0x88: {  	s2 =	sld [smem:$0x3FD9]  }
0x89: {  	s3 =	sld [smem:$0x3FFE];
	_ =	sdelay $0x1  }
0x8a: {  	s1 =	srdreg.scid  }
0x8b: {  	s0 =	sand.u32 $0x1, s1  }
0x8c: {  	s16 =	sshll.u32 s0, $0xA;
	s2 =	sadd.s32 s3, s2  }
0x8d: {  	s2 =	sadd.s32 s2, s16  }
0x8e: {  	[smem:$0x3FC2] =	sst s2  }
0x8f: {  	_ = 	snop  }
0x90: {  	(tm) =	ssettm $0x1  }
0x91: {  	s17 =	sld [smem:$0x3FFB];
	_ =	sdelay $0x3  }
0x92: {  	_ =	strace s17  }
0x93: {  	s2 =	sld [smem:$0x3FFC];
	_ =	sdelay $0x3  }
0x94: {  	_ =	strace s2  }
0x95: {  	s2 =	sld [smem:$0x3FFD];
	_ =	sdelay $0x3  }
0x96: {  	_ =	strace s2  }
0x97: {  	_ =	strace $0x8FFFFFFF  }
0x98: {  	s18 =	sld [smem:$0x3FDB];
	_ =	sdelay $0x1  }
0x99: {  	s19 =	simm.s32 $_scs_section_size  }
0x9a: {  	s4 =	simm.s32 $_size__tile_overlayer_lowered;
	s5 =	simm.s32 $_tile_overlayer_lowered  }
0x9b: {  	s22 =	simm.s32 $0x1BFF;
	s21 =	sshll.u32 s5, $0x1;
	s2 =	sadd.s32 s19, s18  }
0x9c: {  	s6 =	simm.s32 $0x0;
	s20 =	sshll.u32 s4, $0x1;
	s4 =	sadd.s32 s21, s2  }
0x9d: {  	[timem:s6], [sflag:s22] =	dma.local [hbm:s4], s20  }
0x9e: {  	_ =	swait.ge [sflag:s22], s20  }
0x9f: {  	s3 =	ssub.s32 $0x0, s20;
	[sflag:s22] =	ssyncset.done $0x0  }
0xa0: {  	[sflag:s22] =	ssyncadd.s32 s3;
	_ =	sdelay $0x1  }
0xa1: {  	s23 =	simm.s32 $0x1B8B  }
0xa2: {  	_ =	swait.ge [sflag:s23], $0x1  }
0xa3: {  	[sflag:s23] =	ssyncset.done $0x0  }
0xa4: {  	s25 =	simm.s32 $0x1B8E;
	s24 =	sld [smem:$0x3FFE];
	[sflag:s23] =	ssyncadd.s32 $0xFFFFFFFF  }
0xa5: {  	s26 =	simm.s32 $execute0_lowered;
	[smem:$0x3FD2] =	sst s25  }
0xa6: {  	s4 =	sshll.u32 s26, $0x1;
	_ =	strace $0x8000004C;
	[dreg:$0x1] =	wrdreg $0xFFFFFFFF  }
0xa7: {  	s28 =	simm.s32 $_size_execute0_lowered;
	s2 =	sadd.s32 s2, s4;
	[dreg:$0x0] =	wrdreg $0x0  }
0xa8: {  	s4 =	sshll.u32 s28, $0x1;
	[dreg:$0x2] =	wrdreg s2  }
0xa9: {  	[dreg:$0x3] =	wrdreg s4  }
0xaa: {  	[dreg:$0x4] =	wrdreg $0xC0  }
0xab: {  	_ =	task [dreg:s6], $0x5FFFF  }
0xac: {  	[dreg:$0x1] =	wrdreg $0xFFFFFFFF  }
0xad: {  	[dreg:$0x0] =	wrdreg $0x60  }
0xae: {  	[dreg:$0x2] =	wrdreg s24  }
0xaf: {  	[dreg:$0x3] =	wrdreg $0x78C00  }
0xb0: {  	[dreg:$0x4] =	wrdreg $0x9  }
0xb1: {  	_ =	task.clear_ibuf [dreg:s6], $0x5FFFF;
	_ =	strace $0x9000004C  }
0xb2: {  	s29 =	simm.s32 $0x9;
	_ =	strace $0x8000004E  }
0xb3: {  	_ =	swait.ge [sflag:s29], $0x1  }
0xb4: {  	[sflag:s29] =	ssyncadd.s32 $0xFFFFFFFF  }
0xb5: {  	_ =	strace $0x9000004E  }
0xb6: {  	_ =	sfence  }
0xb7: {  	s30 =	sld [smem:$0x0];
	_ =	sdelay $0x2  }
0xb8: {  	s31 =	sshll.u32 s1, $0xD;
	s1 =	sshrl.u32 s1, $0x2  }
0xb9: {  	s3 =	sand.u32 $0x4000, s31;
	s1 =	sadd.s32 s1, s30  }
0xba: {  	s0 =	sor.u32 s3, s0;
	s1 =	sshll.u32 s1, $0x11  }
0xbb: {  	s0 =	sor.u32 s1, s0  }
0xbc: {  	s0 =	sadd.s32 $0x8F2B, s0  }
0xbd: {  	[sflag:s0] =	ssyncadd.remote.s32 $0x1  }
0xbe: {  	_ =	sfence.sel $0xFFFF  }
0xbf: {  	[dreg:$0x0] =	wrdreg $0xFFFFFFFF;
	(pc) =	sbr.abs _section_cstart, $3  }
0xc0: {  	[dreg:$0x1] =	wrdreg $0xFFFFFFFF  }
0xc1: {  	_ =	task.clear_ibuf [dreg:s6], $0x2FFFF;
	_ =	strace $0x9FFFFFFF  }
0xc2: {  	(tm) =	ssettm $0x7FFFFFFF  }
0xc3: {  	_ =	shalt  }
tec
execute0_lowered:
.L_overlay_start_1:
0x0: {  	(tag) =	ssettag $0x1  }
0x1: {  	s0 =	srdreg.scid;
	s5 =	rddreg [dreg:$0x0]  }
0x2: {  	s11 =	stileid.u32;
	s2 =	rddreg [dreg:$0x1];
	s3 =	simm.s32 $0x0  }
0x3: {  	s12 =	simm.s32 $0x9;
	s14 =	simm.s32 $0x38;
	s15 =	simm.s32 $0x4EC0  }
0x4: {  	s16 =	simm.s32 $0x5940;
	s17 =	simm.s32 $0x1;
	s18 =	simm.s32 $0x2  }
0x5: {  	s19 =	simm.s32 $0x63C0;
	s20 =	simm.s32 $0x6E40;
	s21 =	simm.s32 $0x5  }
0x6: {  	s22 =	simm.s32 $0x6;
	s23 =	simm.s32 $0x3;
	s24 =	simm.s32 $0x4  }
0x7: {  	s25 =	simm.s32 $0x7;
	s26 =	simm.s32 $0x8;
	s31 =	simm.s32 $0x2728  }
0x8: {  	s13 =	simm.s32 $0x0;
	s0 =	sand.u32 $0x1, s0;
	s6 =	smul.u32 $0x7680, s11  }
0x9: {  	[smem:$0x7FF] =	sst s3;
	s4 =	sadd.s32 $0x1AE00, s5;
	s29 =	sshll.u32 s11, $0x6  }
0xa: {  	s1 =	sshll.u32 s0, $0x4;
	s7 =	smul.u32 $0x76800, s0;
	_ =	strace $0x8000004D  }
0xb: {  	s0 =	ssub.s32 $0x2, s0;
	s1 =	sor.u32 s11, s1;
	s8 =	sshrl.u32 s6, $0x3  }
0xc: {  	s9 =	sshrl.u32 s0, $0x1;
	s30 =	sadd.s32 s6, s2;
	s1 =	smul.u32 $0x4EC, s1  }
0xd: {  	s7 =	sadd.s32 s6, s7;
	s8 =	sadd.s32 s8, s5;
	s0 =	ssub.s32 s0, s9  }
0xe: {  	s6 =	sor.u32 $0x1C09, s29;
	s11 =	sshrl.u32 s30, $0x3;
	s7 =	sshrl.u32 s7, $0x3  }
0xf: {  	s1 =	sadd.s32 s1, s5;
	s10 =	sadd.s32 s7, s5;
	s5 =	sadd.s32 $0x29A00, s8  }
0x10: {  	s7 =	sadd.s32 $0x11000, s1;
	s8 =	sadd.s32 $0x2000, s1;
	s9 =	sadd.s32 $0x38800, s10  }
0x11: {  	s10 =	smax.u32 s0, $0x1;
	s1 =	simm.s32 $0x4E50;
	s0 =	simm.s32 $0x4E88  }
.LBB2_1:
0x12: {  	[spmem:s11], [sflag:s6] =	dma.local [hbm:s5], $0xED0  }
0x13: {  	_ =	swait.ge [sflag:s12], $0xED0  }
0x14: {  	[sflag:s12] =	ssyncset.done $0x0  }
0x15: {  	[sflag:s12] =	ssyncadd.s32 $0xFFFFF130  }
0x16: {  	[tilespmem:s3], [sflag:$0x9] =	stream.linear.gather [hbm4b:s7+s3], $0x2760, $0x38;
	[tilespmem:$0xEF40] =	vst v63  }
0x17: {  	_ =	swait.ge [sflag:s12], $0x2760  }
0x18: {  	[sflag:s12] =	ssyncset.done $0x0  }
0x19: {  	s28 =	simm.s32 $0x2760;
	[sflag:s12] =	ssyncadd.s32 $0xFFFFD8A0  }
0x1a: {  	[tilespmem:s28], [sflag:$0x9] =	stream.linear.gather [hbm4b:s8+s3], $0x2760, $0x38;
	[tilespmem:$0xEF40] =	vst v63  }
0x1b: {  	_ =	swait.ge [sflag:s12], $0x2760  }
0x1c: {  	[sflag:s12] =	ssyncset.done $0x0  }
0x1d: {  	[sflag:s12] =	ssyncadd.s32 $0xFFFFD8A0  }
0x1e: {  	[bflag:$0x0] =	sbarrier.arrive $0xFFFF  }
0x1f: {  	[tilespmem:s15], [sflag:$0x1] =	stream.indirect.gather [hbm4b:s4+s14], $0x30, s3, s14, $0xb8;
	[tilespmem:$0xEF40] =	vst v63  }
0x20: {  	_ = 	snop  }
0x21: {  	[tilespmem:s16], [sflag:$0x2] =	stream.indirect.gather [hbm4b:s4+s14], $0x30, s14, s14, $0xb8;
	[tilespmem:$0xEF40] =	vst v63  }
0x22: {  	_ =	swait.ge [sflag:s17], $0xA80  }
0x23: {  	[sflag:s17] =	ssyncset.done $0x0  }
0x24: {  	[sflag:s17] =	ssyncadd.s32 $0xFFFFF580  }
0x25: {  	_ =	swait.ge [sflag:s18], $0xA80  }
0x26: {  	[sflag:s18] =	ssyncset.done $0x0  }
0x27: {  	s28 =	simm.s32 $0x2760;
	[sflag:s18] =	ssyncadd.s32 $0xFFFFF580  }
0x28: {  	[spmem:s2] =	stream.indirect.scatter.add.f32 [tilespmem:s15], [sflag:$0x5], $0x30, s28, s14, $0xb8;
	[tilespmem:$0xEF40] =	vst v63  }
0x29: {  	s28 =	simm.s32 $0x2798  }
0x2a: {  	[spmem:s2] =	stream.indirect.scatter.add.f32 [tilespmem:s16], [sflag:$0x6], $0x30, s28, s14, $0xb8;
	[tilespmem:$0xEF40] =	vst v63  }
0x2b: {  	s28 =	simm.s32 $0x70  }
0x2c: {  	[tilespmem:s19], [sflag:$0x3] =	stream.indirect.gather [hbm4b:s4+s14], $0x30, s28, s14, $0xb8;
	[tilespmem:$0xEF40] =	vst v63  }
0x2d: {  	s28 =	simm.s32 $0xA8  }
0x2e: {  	[tilespmem:s20], [sflag:$0x4] =	stream.indirect.gather [hbm4b:s4+s14], $0x30, s28, s14, $0xb8;
	[tilespmem:$0xEF40] =	vst v63  }
0x2f: {  	_ =	swait.ge [sflag:s21], $0xA80  }
0x30: {  	[sflag:s21] =	ssyncset.done $0x0  }
0x31: {  	[sflag:s21] =	ssyncadd.s32 $0xFFFFF580  }
0x32: {  	_ =	swait.ge [sflag:s22], $0xA80  }
0x33: {  	[sflag:s22] =	ssyncset.done $0x0  }
0x34: {  	[sflag:s22] =	ssyncadd.s32 $0xFFFFF580  }
0x35: {  	_ =	swait.ge [sflag:s23], $0xA80  }
0x36: {  	[sflag:s23] =	ssyncset.done $0x0  }
0x37: {  	[sflag:s23] =	ssyncadd.s32 $0xFFFFF580  }
0x38: {  	_ =	swait.ge [sflag:s24], $0xA80  }
0x39: {  	[sflag:s24] =	ssyncset.done $0x0  }
0x3a: {  	s28 =	simm.s32 $0x27D0;
	[sflag:s24] =	ssyncadd.s32 $0xFFFFF580  }
0x3b: {  	[spmem:s2] =	stream.indirect.scatter.add.f32 [tilespmem:s19], [sflag:$0x7], $0x30, s28, s14, $0xb8;
	[tilespmem:$0xEF40] =	vst v63  }
0x3c: {  	s28 =	simm.s32 $0x2808  }
0x3d: {  	[spmem:s2] =	stream.indirect.scatter.add.f32 [tilespmem:s20], [sflag:$0x8], $0x30, s28, s14, $0xb8;
	[tilespmem:$0xEF40] =	vst v63  }
0x3e: {  	s28 =	simm.s32 $0xE0  }
0x3f: {  	[tilespmem:s15], [sflag:$0x1] =	stream.indirect.gather [hbm4b:s4+s14], $0x30, s28, s14, $0xb8;
	[tilespmem:$0xEF40] =	vst v63  }
0x40: {  	s28 =	simm.s32 $0x118  }
0x41: {  	[tilespmem:s16], [sflag:$0x2] =	stream.indirect.gather [hbm4b:s4+s14], $0x30, s28, s14, $0xb8;
	[tilespmem:$0xEF40] =	vst v63  }
0x42: {  	_ =	swait.ge [sflag:s25], $0xA80  }
0x43: {  	[sflag:s25] =	ssyncset.done $0x0  }
0x44: {  	[sflag:s25] =	ssyncadd.s32 $0xFFFFF580  }
0x45: {  	_ =	swait.ge [sflag:s26], $0xA80  }
0x46: {  	s28 =	simm.s32 $0x380;
	[sflag:s26] =	ssyncset.done $0x0  }
.LBB2_2:
0x47: {  	p0 =	sne.s32 s28, $0x9680  }
0x48: {  	[sflag:s26] =	ssyncadd.s32 $0xFFFFF580;
	s29 =	smov.u32 s28;
	s28 =	sadd.s32 $0x380, s28  }
0x49: {  	_ =	swait.ge [sflag:s17], $0xA80  }
0x4a: {  	[sflag:s17] =	ssyncset.done $0x0  }
0x4b: {  	[sflag:s17] =	ssyncadd.s32 $0xFFFFF580  }
0x4c: {  	_ =	swait.ge [sflag:s18], $0xA80  }
0x4d: {  	s29 =	sshra.s32 s29, $0x2;
	[sflag:s18] =	ssyncset.done $0x0  }
0x4e: {  	s30 =	sadd.s32 $0x2760, s29;
	[sflag:s18] =	ssyncadd.s32 $0xFFFFF580  }
0x4f: {  	[spmem:s2] =	stream.indirect.scatter.add.f32 [tilespmem:s15], [sflag:$0x5], $0x30, s30, s14, $0xb8;
	[tilespmem:$0xEF40] =	vst v63  }
0x50: {  	s30 =	sadd.s32 $0x2798, s29  }
0x51: {  	[spmem:s2] =	stream.indirect.scatter.add.f32 [tilespmem:s16], [sflag:$0x6], $0x30, s30, s14, $0xb8;
	[tilespmem:$0xEF40] =	vst v63  }
0x52: {  	s30 =	sadd.s32 $0x70, s29  }
0x53: {  	[tilespmem:s19], [sflag:$0x3] =	stream.indirect.gather [hbm4b:s4+s14], $0x30, s30, s14, $0xb8;
	[tilespmem:$0xEF40] =	vst v63  }
0x54: {  	s30 =	sadd.s32 $0xA8, s29  }
0x55: {  	[tilespmem:s20], [sflag:$0x4] =	stream.indirect.gather [hbm4b:s4+s14], $0x30, s30, s14, $0xb8;
	[tilespmem:$0xEF40] =	vst v63  }
0x56: {  	_ =	swait.ge [sflag:s21], $0xA80  }
0x57: {  	[sflag:s21] =	ssyncset.done $0x0  }
0x58: {  	[sflag:s21] =	ssyncadd.s32 $0xFFFFF580  }
0x59: {  	_ =	swait.ge [sflag:s22], $0xA80  }
0x5a: {  	[sflag:s22] =	ssyncset.done $0x0  }
0x5b: {  	[sflag:s22] =	ssyncadd.s32 $0xFFFFF580  }
0x5c: {  	_ =	swait.ge [sflag:s23], $0xA80  }
0x5d: {  	[sflag:s23] =	ssyncset.done $0x0  }
0x5e: {  	[sflag:s23] =	ssyncadd.s32 $0xFFFFF580  }
0x5f: {  	_ =	swait.ge [sflag:s24], $0xA80  }
0x60: {  	[sflag:s24] =	ssyncset.done $0x0  }
0x61: {  	s30 =	sadd.s32 $0x27D0, s29;
	[sflag:s24] =	ssyncadd.s32 $0xFFFFF580  }
0x62: {  	[spmem:s2] =	stream.indirect.scatter.add.f32 [tilespmem:s19], [sflag:$0x7], $0x30, s30, s14, $0xb8;
	[tilespmem:$0xEF40] =	vst v63  }
0x63: {  	s30 =	sadd.s32 $0x2808, s29  }
0x64: {  	[spmem:s2] =	stream.indirect.scatter.add.f32 [tilespmem:s20], [sflag:$0x8], $0x30, s30, s14, $0xb8;
	[tilespmem:$0xEF40] =	vst v63  }
0x65: {  	s30 =	sadd.s32 $0xE0, s29  }
0x66: {  	[tilespmem:s15], [sflag:$0x1] =	stream.indirect.gather [hbm4b:s4+s14], $0x30, s30, s14, $0xb8;
	[tilespmem:$0xEF40] =	vst v63  }
0x67: {  	s29 =	sadd.s32 $0x118, s29  }
0x68: {  	[tilespmem:s16], [sflag:$0x2] =	stream.indirect.gather [hbm4b:s4+s14], $0x30, s29, s14, $0xb8;
	[tilespmem:$0xEF40] =	vst v63  }
.Ltmp0:
0x69: {  	_ =	swait.ge [sflag:s25], $0xA80;
	(pc) =	sbr.rel @p0 .LBB2_2-.Ltmp0, $4  }
0x6a: {  	[sflag:s25] =	ssyncset.done $0x0  }
0x6b: {  	[sflag:s25] =	ssyncadd.s32 $0xFFFFF580  }
0x6c: {  	_ =	swait.ge [sflag:s26], $0xA80  }
0x6d: {  	[sflag:s26] =	ssyncset.done $0x0  }
0x6e: {  	[sflag:s26] =	ssyncadd.s32 $0xFFFFF580  }
0x6f: {  	_ =	swait.ge [sflag:s17], $0xA80  }
0x70: {  	[sflag:s17] =	ssyncset.done $0x0  }
0x71: {  	[sflag:s17] =	ssyncadd.s32 $0xFFFFF580  }
0x72: {  	_ =	swait.ge [sflag:s18], $0xA80  }
0x73: {  	[sflag:s18] =	ssyncset.done $0x0  }
0x74: {  	s28 =	simm.s32 $0x4DE0;
	[sflag:s18] =	ssyncadd.s32 $0xFFFFF580  }
0x75: {  	[spmem:s2] =	stream.indirect.scatter.add.f32 [tilespmem:s15], [sflag:$0x5], $0x30, s28, s14, $0xb8;
	[tilespmem:$0xEF40] =	vst v63  }
0x76: {  	s29 =	simm.s32 $0x4E18  }
0x77: {  	[spmem:s2] =	stream.indirect.scatter.add.f32 [tilespmem:s16], [sflag:$0x6], $0x30, s29, s14, $0xb8;
	[tilespmem:$0xEF40] =	vst v63  }
0x78: {  	s30 =	simm.s32 $0x26F0  }
0x79: {  	[tilespmem:s19], [sflag:$0x3] =	stream.indirect.gather [hbm4b:s4+s14], $0x30, s30, s14, $0xb8;
	[tilespmem:$0xEF40] =	vst v63  }
0x7a: {  	_ = 	snop  }
0x7b: {  	[tilespmem:s20], [sflag:$0x4] =	stream.indirect.gather [hbm4b:s4+s14], $0x30, s31, s14, $0xb8;
	[tilespmem:$0xEF40] =	vst v63  }
0x7c: {  	_ =	swait.ge [sflag:s21], $0xA80  }
0x7d: {  	[sflag:s21] =	ssyncset.done $0x0  }
0x7e: {  	[sflag:s21] =	ssyncadd.s32 $0xFFFFF580  }
0x7f: {  	_ =	swait.ge [sflag:s22], $0xA80  }
0x80: {  	[sflag:s22] =	ssyncset.done $0x0  }
0x81: {  	[sflag:s22] =	ssyncadd.s32 $0xFFFFF580  }
0x82: {  	_ =	swait.ge [sflag:s23], $0xA80  }
0x83: {  	[sflag:s23] =	ssyncset.done $0x0  }
0x84: {  	[sflag:s23] =	ssyncadd.s32 $0xFFFFF580  }
0x85: {  	_ =	swait.ge [sflag:s24], $0xA80  }
0x86: {  	[sflag:s24] =	ssyncset.done $0x0  }
0x87: {  	[sflag:s24] =	ssyncadd.s32 $0xFFFFF580  }
0x88: {  	[spmem:s2] =	stream.indirect.scatter.add.f32 [tilespmem:s19], [sflag:$0x7], $0x30, s1, s14, $0xb8;
	[tilespmem:$0xEF40] =	vst v63  }
0x89: {  	_ = 	snop  }
0x8a: {  	[spmem:s2] =	stream.indirect.scatter.add.f32 [tilespmem:s20], [sflag:$0x8], $0x30, s0, s14, $0xb8;
	[tilespmem:$0xEF40] =	vst v63  }
0x8b: {  	_ =	swait.ge [sflag:s25], $0xA80  }
0x8c: {  	[sflag:s25] =	ssyncset.done $0x0  }
0x8d: {  	[sflag:s25] =	ssyncadd.s32 $0xFFFFF580  }
0x8e: {  	_ =	swait.ge [sflag:s26], $0xA80  }
0x8f: {  	s13 =	sadd.s32 $0x1, s13;
	[sflag:s26] =	ssyncset.done $0x0  }
0x90: {  	p0 =	sne.s32 s13, s10;
	[sflag:s26] =	ssyncadd.s32 $0xFFFFF580  }
.Ltmp1:
0x91: {  	[bflag:$0x0] =	sbarrier.arrive $0xFFFF;
	(pc) =	sbr.rel @p0 .LBB2_1-.Ltmp1, $4  }
0x92: {  	[hbm:s9], [sflag:s6] =	dma.local [spmem:s11], $0xED0  }
0x93: {  	_ =	swait.ge [sflag:s12], $0xED0  }
0x94: {  	[sflag:s12] =	ssyncset.done $0x0  }
0x95: {  	[sflag:s12] =	ssyncadd.s32 $0xFFFFF130  }
0x96: {  	_ =	sfence.sel $0x180000  }
0x97: {  	[bflag:$0x0] =	sbarrier.arrive $0xFFFF  }
0x98: {  	_ =	strace $0x9000004D  }
0x99: {  	s0 =	stileid.u32;
	[bflag:$0x2] =	sbarrier.arrive $0xFFFF  }
0x9a: {  	p0 =	sne.s32 s0, $0x0;
	s0 =	rddreg [dreg:$0x2]  }
0x9b: {  	s0 =	sadd.s32 @!p0 $0x100000, s0  }
0x9c: {  	[sflag:s0] =	ssyncadd.tile.s32 @!p0 $0x1;
	_ =	shalt  }
.Lfunc_end2:
_tile_overlayer_lowered:
.L_overlay_start_2:
0x9d: {  	(tag) =	ssettag $0x2  }
0x9e: {  	s0 =	rddreg [dreg:$0x0];
	s2 =	stileid.u32  }
0x9f: {  	s1 =	rddreg [dreg:$0x1];
	p0 =	sne.s32 s2, $0x0  }
0xa0: {  	s3 =	rddreg [dreg:$0x2];
	[bflag:$0x3] =	sbarrier.arrive $0xFFFF;
	s2 =	simm.s32 @!p0 $0x1C09  }
0xa1: {  	[timem:s3], [sflag:s2] =	dma.local @!p0 [hbm:s0], s1  }
0xa2: {  	s0 =	simm.s32 @!p0 $0x9  }
0xa3: {  	_ =	swait.ge @!p0 [sflag:s0], s1  }
0xa4: {  	s1 =	ssub.s32 @!p0 $0x0, s1;
	[sflag:s0] =	ssyncset.done @!p0 $0x0  }
0xa5: {  	[sflag:s0] =	ssyncadd.s32 @!p0 s1  }
0xa6: {  	[bflag:$0x3] =	sbarrier.arrive $0xFFFF  }
0xa7: {  	_ =	shalt  }

// kernel: kernel.8.cloned.1.call-start
scs
__scs_entry_jumppad:
0x0: {  	(pc) =	sbr.rel $0x88, $3  }
0x1: {  	(tag) =	ssettag $0x0;
	lr =	simm.s32 $0x1  }
0x2: {  	[smem:$0x3F9B] =	sst lr;
	_ =	strace $0xD0000000  }
0x3: {  	_ = 	snop  }
0x4: {  	_ = 	snop  }
0x5: {  	_ = 	snop  }
0x6: {  	_ = 	snop  }
0x7: {  	_ = 	snop  }
__scs_overlays_trampoline_lowered:
0x8: {  	[smem:$0x3FAA] =	sst s0  }
0x9: {  	[smem:$0x3FAB] =	sst s1  }
0xa: {  	[smem:$0x3FAC] =	sst s2  }
0xb: {  	[smem:$0x3FAD] =	sst s3  }
0xc: {  	[smem:$0x3FAE] =	sst s4  }
0xd: {  	[smem:$0x3FAF] =	sst s5  }
0xe: {  	[smem:$0x3FB0] =	sst s6  }
0xf: {  	[smem:$0x3FB1] =	sst s7  }
0x10: {  	[smem:$0x3FB2] =	sst s8  }
0x11: {  	[smem:$0x3FB3] =	sst s9;
	s0 =	simm.s32 @!p0 $0x0  }
0x12: {  	s1 =	sld [smem:$0x3F99];
	s0 =	simm.s32 @p0 $0x1  }
0x13: {  	[smem:$0x3FB4] =	sst s0;
	s0 =	simm.s32 @!p1 $0x0  }
0x14: {  	s2 =	sld [smem:$0x3F98];
	s0 =	simm.s32 @p1 $0x1  }
0x15: {  	[smem:$0x3FB5] =	sst s0;
	s0 =	simm.s32 @!p2 $0x0  }
0x16: {  	s3 =	sld [smem:$0x3FDB];
	s0 =	simm.s32 @p2 $0x1  }
0x17: {  	s4 =	simm.s32 $0x1BF5;
	[smem:$0x3FB7] =	sst s0  }
0x18: {  	s0 =	sld [smem:$0x3F9A];
	_ =	swait.ge [sflag:s4], $0x0  }
0x19: {  	s7 =	sld [smem:$0x3F9B]  }
0x1a: {  	s8 =	sadd.s32 $0xFFFFE003, lr  }
0x1b: {  	s9 =	sadd.s32 $0xFFFFFEF7, lr;
	s5 =	simm.s32 $0xFFFFFFFF;
	p2 =	slt.u32 s8, $0xFFFFF086  }
0x1c: {  	p1 =	slt.u32 s9, $0xF7A;
	s5 =	simm.s32 @!p2 $0x0  }
0x1d: {  	s5 =	simm.s32 @p1 $0x1;
	p0 =	seq.s32 s7, s2  }
0x1e: {  	s7 =	smul.u32 @!p0 $0xF7A, s2;
	p2 =	seq.s32 @!p0 s5, $0x0  }
0x1f: {  	s9 =	smul.u32 $0xF7A, s1;
	s8 =	simm.s32 @!p0 $0x1BF5;
	p2 =	por !p2, p0  }
0x20: {  	[sflag:s8] =	ssyncset.s32 @!p0 $0xFFFFF086;
	s6 =	sadd.s32 @!p0 s3, s7;
	s7 =	simm.s32 @!p0 $0x108  }
0x21: {  	s3 =	sadd.s32 s3, s9;
	s6 =	sadd.s32 @!p0 $0x88, s6;
	s7 =	simm.s32 @p2 $0x1082  }
0x22: {  	[simem:s7], [sflag:s8] =	dma.local @!p0 [hbm:s6], $0xF7A  }
0x23: {  	s9 =	sor.u32 $0xD0000000, s2;
	s6 =	simm.s32 $0x108;
	_ =	swait.ge @!p0 [sflag:s8], $0x0  }
0x24: {  	s3 =	sadd.s32 $0x88, s3;
	s6 =	simm.s32 @!p1 $0x1082;
	[sflag:s4] =	ssyncset.s32 $0xFFFFF086  }
0x25: {  	[simem:s6], [sflag:s4] =	dma.local [hbm:s3], $0xF7A  }
0x26: {  	[smem:$0x3F9B] =	sst s1;
	(tag) =	ssettag s2;
	_ =	strace s9  }
0x27: {  	s1 =	sld [smem:$0x3FAB]  }
0x28: {  	s2 =	sld [smem:$0x3FAC]  }
0x29: {  	s4 =	sld [smem:$0x3FAE]  }
0x2a: {  	p0 =	seq.s32 s5, $0x0;
	s5 =	sld [smem:$0x3FAF]  }
0x2b: {  	s6 =	sld [smem:$0x3FB0]  }
0x2c: {  	s7 =	sld [smem:$0x3FB1]  }
0x2d: {  	s3 =	simm.s32 $0x108;
	s8 =	sld [smem:$0x3FB2]  }
0x2e: {  	s3 =	simm.s32 @!p0 $0x1082;
	s9 =	sld [smem:$0x3FB3]  }
0x2f: {  	lr =	sadd.s32 s0, s3;
	s0 =	sld [smem:$0x3FAA]  }
0x30: {  	s3 =	sld [smem:$0x3FAD]  }
0x31: {  	[smem:$0x3FB6] =	sst s10  }
0x32: {  	s10 =	sld [smem:$0x3FB4];
	_ =	sdelay $0x3  }
0x33: {  	p0 =	seq.s32 s10, $0x1;
	s10 =	sld [smem:$0x3FB6];
	_ =	sdelay $0x3  }
0x34: {  	[smem:$0x3FB6] =	sst s10  }
0x35: {  	s10 =	sld [smem:$0x3FB5];
	_ =	sdelay $0x3  }
0x36: {  	p1 =	seq.s32 s10, $0x1;
	s10 =	sld [smem:$0x3FB6];
	_ =	sdelay $0x3  }
0x37: {  	[smem:$0x3FB6] =	sst s10  }
0x38: {  	s10 =	sld [smem:$0x3FB7]  }
0x39: {  	_ = 	snop;
	(pc) =	sbr.ind lr, $3  }
0x3a: {  	_ = 	snop  }
0x3b: {  	_ = 	snop  }
0x3c: {  	p2 =	seq.s32 s10, $0x1;
	s10 =	sld [smem:$0x3FB6]  }
0x3d: {  	_ =	shalt  }
0x3e: {  	_ =	shalt  }
0x3f: {  	_ =	shalt  }
0x40: {  	_ =	shalt  }
0x41: {  	_ =	shalt  }
0x42: {  	_ =	shalt  }
0x43: {  	_ =	shalt  }
0x44: {  	_ =	shalt  }
0x45: {  	_ =	shalt  }
0x46: {  	_ =	shalt  }
0x47: {  	_ =	shalt  }
0x48: {  	_ =	shalt  }
0x49: {  	_ =	shalt  }
0x4a: {  	_ =	shalt  }
0x4b: {  	_ =	shalt  }
0x4c: {  	_ =	shalt  }
0x4d: {  	_ =	shalt  }
0x4e: {  	_ =	shalt  }
0x4f: {  	_ =	shalt  }
0x50: {  	_ =	shalt  }
0x51: {  	_ =	shalt  }
0x52: {  	_ =	shalt  }
0x53: {  	_ =	shalt  }
0x54: {  	_ =	shalt  }
0x55: {  	_ =	shalt  }
0x56: {  	_ =	shalt  }
0x57: {  	_ =	shalt  }
0x58: {  	_ =	shalt  }
0x59: {  	_ =	shalt  }
0x5a: {  	_ =	shalt  }
0x5b: {  	_ =	shalt  }
0x5c: {  	_ =	shalt  }
0x5d: {  	_ =	shalt  }
0x5e: {  	_ =	shalt  }
0x5f: {  	_ =	shalt  }
0x60: {  	_ =	shalt  }
0x61: {  	_ =	shalt  }
0x62: {  	_ =	shalt  }
0x63: {  	_ =	shalt  }
0x64: {  	_ =	shalt  }
0x65: {  	_ =	shalt  }
0x66: {  	_ =	shalt  }
0x67: {  	_ =	shalt  }
0x68: {  	_ =	shalt  }
0x69: {  	_ =	shalt  }
0x6a: {  	_ =	shalt  }
0x6b: {  	_ =	shalt  }
0x6c: {  	_ =	shalt  }
0x6d: {  	_ =	shalt  }
0x6e: {  	_ =	shalt  }
0x6f: {  	_ =	shalt  }
0x70: {  	_ =	shalt  }
0x71: {  	_ =	shalt  }
0x72: {  	_ =	shalt  }
0x73: {  	_ =	shalt  }
0x74: {  	_ =	shalt  }
0x75: {  	_ =	shalt  }
0x76: {  	_ =	shalt  }
0x77: {  	_ =	shalt  }
0x78: {  	_ =	shalt  }
0x79: {  	_ =	shalt  }
0x7a: {  	_ =	shalt  }
0x7b: {  	_ =	shalt  }
0x7c: {  	_ =	shalt  }
0x7d: {  	_ =	shalt  }
0x7e: {  	_ =	shalt  }
0x7f: {  	_ =	shalt  }
0x80: {  	_ =	shalt  }
0x81: {  	_ =	shalt  }
0x82: {  	_ =	shalt  }
0x83: {  	_ =	shalt  }
0x84: {  	_ =	shalt  }
0x85: {  	_ =	shalt  }
0x86: {  	_ =	shalt  }
0x87: {  	_ =	shalt  }
.Lfunc_end0:
.L_simem_size_0:
called_computation_lowered:
.L_overlay_start_0:
0x88: {  	s2 =	sld [smem:$0x3FD9]  }
0x89: {  	s3 =	sld [smem:$0x3FFE];
	_ =	sdelay $0x1  }
0x8a: {  	s1 =	srdreg.scid  }
0x8b: {  	s0 =	sand.u32 $0x1, s1  }
0x8c: {  	s17 =	sshll.u32 s0, $0xA;
	s2 =	sadd.s32 s3, s2  }
0x8d: {  	s2 =	sadd.s32 s2, s17  }
0x8e: {  	[smem:$0x3FC2] =	sst s2  }
0x8f: {  	_ = 	snop  }
0x90: {  	s2 =	sld [smem:$0x3FD0];
	(tm) =	ssettm $0x1  }
0x91: {  	s18 =	sld [smem:$0x3FFB];
	_ =	sdelay $0x3  }
0x92: {  	_ =	strace s18  }
0x93: {  	s3 =	sld [smem:$0x3FFC];
	_ =	sdelay $0x3  }
0x94: {  	_ =	strace s3  }
0x95: {  	s3 =	sld [smem:$0x3FFD];
	_ =	sdelay $0x3  }
0x96: {  	_ =	strace s3  }
0x97: {  	_ =	strace $0x8FFFFFFF  }
0x98: {  	s19 =	sld [smem:$0x3FDB];
	_ =	sdelay $0x1  }
0x99: {  	s4 =	simm.s32 $_scs_section_size  }
0x9a: {  	s5 =	simm.s32 $_size__tile_overlayer_lowered;
	s6 =	simm.s32 $_tile_overlayer_lowered  }
0x9b: {  	s22 =	simm.s32 $0x1BFF;
	s21 =	sshll.u32 s6, $0x1;
	s3 =	sadd.s32 s4, s19  }
0x9c: {  	s7 =	simm.s32 $0x0;
	s20 =	sshll.u32 s5, $0x1;
	s5 =	sadd.s32 s21, s3  }
0x9d: {  	[timem:s7], [sflag:s22] =	dma.local [hbm:s5], s20  }
0x9e: {  	_ =	swait.ge [sflag:s22], s20  }
0x9f: {  	s4 =	ssub.s32 $0x0, s20;
	[sflag:s22] =	ssyncset.done $0x0  }
0xa0: {  	[sflag:s22] =	ssyncadd.s32 s4;
	_ =	sdelay $0x1  }
0xa1: {  	s23 =	simm.s32 $0x1B8B  }
0xa2: {  	_ =	swait.ge [sflag:s23], $0x1  }
0xa3: {  	[sflag:s23] =	ssyncset.done $0x0  }
0xa4: {  	s25 =	simm.s32 $0x1B8E;
	s24 =	sld [smem:$0x3FFE];
	[sflag:s23] =	ssyncadd.s32 $0xFFFFFFFF  }
0xa5: {  	s26 =	simm.s32 $execute0_lowered;
	[smem:$0x3FD2] =	sst s25  }
0xa6: {  	s5 =	sshll.u32 s26, $0x1;
	_ =	strace $0x80000046;
	[dreg:$0x1] =	wrdreg $0xFFFFFFFF  }
0xa7: {  	s28 =	simm.s32 $_size_execute0_lowered;
	s3 =	sadd.s32 s3, s5;
	[dreg:$0x0] =	wrdreg $0x0  }
0xa8: {  	s5 =	sshll.u32 s28, $0x1;
	[dreg:$0x2] =	wrdreg s3  }
0xa9: {  	[dreg:$0x3] =	wrdreg s5  }
0xaa: {  	[dreg:$0x4] =	wrdreg $0xC0  }
0xab: {  	_ =	task [dreg:s7], $0x5FFFF  }
0xac: {  	[dreg:$0x1] =	wrdreg $0xFFFFFFFF  }
0xad: {  	[dreg:$0x0] =	wrdreg $0x60  }
0xae: {  	[dreg:$0x2] =	wrdreg s24  }
0xaf: {  	[dreg:$0x3] =	wrdreg s2  }
0xb0: {  	[dreg:$0x4] =	wrdreg $0x2AE00  }
0xb1: {  	[dreg:$0x5] =	wrdreg $0x9  }
0xb2: {  	_ =	task.clear_ibuf [dreg:s7], $0x6FFFF;
	_ =	strace $0x90000046  }
0xb3: {  	s29 =	simm.s32 $0x9;
	_ =	strace $0x80000048  }
0xb4: {  	_ =	swait.ge [sflag:s29], $0x1  }
0xb5: {  	[sflag:s29] =	ssyncadd.s32 $0xFFFFFFFF  }
0xb6: {  	_ =	strace $0x90000048  }
0xb7: {  	_ =	sfence  }
0xb8: {  	s30 =	sld [smem:$0x0];
	_ =	sdelay $0x2  }
0xb9: {  	s31 =	sshll.u32 s1, $0xD;
	s1 =	sshrl.u32 s1, $0x2  }
0xba: {  	s3 =	sand.u32 $0x4000, s31;
	s1 =	sadd.s32 s1, s30  }
0xbb: {  	s0 =	sor.u32 s3, s0;
	s1 =	sshll.u32 s1, $0x11  }
0xbc: {  	s0 =	sor.u32 s1, s0  }
0xbd: {  	s0 =	sadd.s32 $0x8F2B, s0  }
0xbe: {  	[sflag:s0] =	ssyncadd.remote.s32 $0x1  }
0xbf: {  	_ =	sfence.sel $0xFFFF  }
0xc0: {  	[dreg:$0x0] =	wrdreg $0xFFFFFFFF;
	(pc) =	sbr.abs _section_cstart, $3  }
0xc1: {  	[dreg:$0x1] =	wrdreg $0xFFFFFFFF  }
0xc2: {  	_ =	task.clear_ibuf [dreg:s7], $0x2FFFF;
	_ =	strace $0x9FFFFFFF  }
0xc3: {  	(tm) =	ssettm $0x7FFFFFFF  }
tec
execute0_lowered:
.L_overlay_start_1:
0x0: {  	(tag) =	ssettag $0x1  }
0x1: {  	s5 =	rddreg [dreg:$0x0]  }
0x2: {  	s8 =	rddreg [dreg:$0x1]  }
0x3: {  	s0 =	srdreg.scid;
	s2 =	rddreg [dreg:$0x2]  }
0x4: {  	s3 =	simm.s32 $0x0;
	s13 =	simm.s32 $0x38;
	s14 =	simm.s32 $0x1  }
0x5: {  	s15 =	simm.s32 $0x0;
	s4 =	sand.u32 $0x1, s0;
	s0 =	stileid.u32  }
0x6: {  	[smem:$0x7FF] =	sst s3;
	s1 =	sshll.u32 s4, $0x4;
	s7 =	smul.u32 $0x2780, s0  }
0x7: {  	s28 =	ssub.s32 $0x2, s4;
	s12 =	smul.u32 $0x27800, s4;
	s4 =	sadd.s32 $0x10E00, s5  }
0x8: {  	s31 =	sshll.u32 s0, $0x6;
	s6 =	sor.u32 s0, s1;
	s1 =	rddreg [dreg:$0x3]  }
0x9: {  	_ =	strace $0x80000047;
	s11 =	sshrl.u32 s28, $0x1;
	s6 =	smul.u32 $0x4EC, s6  }
0xa: {  	s10 =	sshrl.u32 s7, $0x3;
	s30 =	sadd.s32 s7, s2;
	s7 =	sadd.s32 s7, s12  }
0xb: {  	s29 =	ssub.s32 s28, s11;
	s11 =	simm.s32 $0x2;
	s12 =	sshrl.u32 s7, $0x3  }
0xc: {  	s9 =	sadd.s32 s6, s5;
	s5 =	sadd.s32 s10, s5;
	s6 =	sor.u32 $0x1C02, s31  }
0xd: {  	s8 =	sadd.s32 s8, s12;
	s10 =	sshrl.u32 s30, $0x3;
	s12 =	simm.s32 $0x2760  }
0xe: {  	s5 =	sadd.s32 $0xBE00, s5;
	s7 =	sadd.s32 $0x2000, s9;
	s9 =	smax.u32 s29, $0x1  }
.LBB2_1:
0xf: {  	[spmem:s10], [sflag:s6] =	dma.local [hbm:s5], $0x4F0  }
0x10: {  	_ =	swait.ge [sflag:s11], $0x4F0  }
0x11: {  	[sflag:s11] =	ssyncset.done $0x0  }
0x12: {  	[sflag:s11] =	ssyncadd.s32 $0xFFFFFB10  }
0x13: {  	[tilespmem:s3], [sflag:$0x2] =	stream.linear.gather [hbm4b:s7+s3], $0x2760, $0x38;
	[tilespmem:$0x5260] =	vst v63  }
0x14: {  	_ =	swait.ge [sflag:s11], $0x2760  }
0x15: {  	[sflag:s11] =	ssyncset.done $0x0  }
0x16: {  	[sflag:s11] =	ssyncadd.s32 $0xFFFFD8A0  }
0x17: {  	[tilespmem:s12], [sflag:$0x2] =	stream.linear.gather [hbm4b:s4+s3], $0x380, $0x38;
	[tilespmem:$0x5260] =	vst v63  }
0x18: {  	_ =	swait.ge [sflag:s11], $0x380  }
0x19: {  	[sflag:s11] =	ssyncset.done $0x0  }
0x1a: {  	[sflag:s11] =	ssyncadd.s32 $0xFFFFFC80  }
0x1b: {  	s16 =	simm.s32 $0x0;
	[bflag:$0x0] =	sbarrier.arrive $0xFFFF  }
.LBB2_2:
0x1c: {  	p0 =	sne.s32 s16, $0x9CA0  }
.Ltmp0:
0x1d: {  	_ = 	snop;
	(pc) =	sbr.rel @p0 .LBB2_2-.Ltmp0, $3  }
0x1e: {  	_ =	sdelay $0x1  }
0x1f: {  	s17 =	sshra.s32 s16, $0x2;
	s16 =	sadd.s32 $0xE0, s16  }
0x20: {  	[spmem:s2] =	stream.indirect.scatter.add.f32 [tilespmem:s12], [sflag:$0x1], $0x10, s17, s13, $0xb8;
	[tilespmem:$0x5260] =	vst v63  }
0x21: {  	_ =	swait.ge [sflag:s14], $0x380  }
0x22: {  	s16 =	simm.s32 $0xB3;
	[sflag:s14] =	ssyncset.done $0x0  }
.LBB2_4:
0x23: {  	p0 =	sne.s32 s16, $0x1;
	s16 =	sadd.s32 $0xFFFFFFFF, s16;
	[sflag:s14] =	ssyncadd.s32 $0xFFFFFC80  }
.Ltmp1:
0x24: {  	(pc) =	sbr.rel @p0 .LBB2_4-.Ltmp1, $3  }
0x25: {  	_ =	sdelay $0x1  }
0x26: {  	_ =	swait.ge [sflag:s14], $0x380  }
0x27: {  	[sflag:s14] =	ssyncset.done $0x0  }
0x28: {  	s15 =	sadd.s32 $0x1, s15  }
0x29: {  	[sflag:s14] =	ssyncadd.s32 $0xFFFFFC80;
	p0 =	sne.s32 s15, s9  }
.Ltmp2:
0x2a: {  	[bflag:$0x0] =	sbarrier.arrive $0xFFFF;
	(pc) =	sbr.rel @p0 .LBB2_1-.Ltmp2, $4  }
0x2b: {  	[hbm:s8], [sflag:s6] =	dma.local [spmem:s10], $0x4F0  }
0x2c: {  	_ =	swait.ge [sflag:s11], $0x4F0  }
0x2d: {  	[sflag:s11] =	ssyncset.done $0x0  }
0x2e: {  	[sflag:s11] =	ssyncadd.s32 $0xFFFFFB10  }
0x2f: {  	_ =	sfence.sel $0x180000  }
0x30: {  	[bflag:$0x0] =	sbarrier.arrive $0xFFFF  }
0x31: {  	p0 =	sne.s32 s0, $0x0;
	_ =	strace $0x90000047  }
0x32: {  	s0 =	sadd.s32 @!p0 $0x100000, s1;
	[bflag:$0x2] =	sbarrier.arrive $0xFFFF  }
0x33: {  	[sflag:s0] =	ssyncadd.tile.s32 @!p0 $0x1;
	_ =	shalt  }
.Lfunc_end2:
_tile_overlayer_lowered:
.L_overlay_start_2:
0x34: {  	(tag) =	ssettag $0x2  }
0x35: {  	s0 =	rddreg [dreg:$0x0];
	s2 =	stileid.u32  }
0x36: {  	s1 =	rddreg [dreg:$0x1];
	p0 =	sne.s32 s2, $0x0  }
0x37: {  	s3 =	rddreg [dreg:$0x2];
	[bflag:$0x3] =	sbarrier.arrive $0xFFFF;
	s2 =	simm.s32 @!p0 $0x1C02  }
0x38: {  	[timem:s3], [sflag:s2] =	dma.local @!p0 [hbm:s0], s1  }
0x39: {  	s0 =	simm.s32 @!p0 $0x2  }
0x3a: {  	_ =	swait.ge @!p0 [sflag:s0], s1  }
0x3b: {  	s1 =	ssub.s32 @!p0 $0x0, s1;
	[sflag:s0] =	ssyncset.done @!p0 $0x0  }
0x3c: {  	[sflag:s0] =	ssyncadd.s32 @!p0 s1  }
0x3d: {  	[bflag:$0x3] =	sbarrier.arrive $0xFFFF  }
0x3e: {  	_ =	shalt  }

</sc_bundles>
